<compile_context>
chip_gen: v7x
topology: tpu7x:2x2x1
jax: 0.10.2.dev20260603
libtpu: 0.0.44.dev20260713+nightly
codegen_flags: <defaults>
</compile_context>

<pallas_src>
import functools

import jax
import jax.numpy as jnp
from jax import lax
from jax.experimental import pallas as pl
from jax.experimental.pallas import tpu as pltpu
from jax.experimental.pallas import tpu_sc as plsc

N = 10000
E = 320000
HID = 128
WCOL = 80
GCOL = 96
NW = 32
CHUNK = 112
CPT = 90
EP = NW * CPT * CHUNK
NPAD = 10016

_f32 = jnp.float32
_bf16 = jnp.bfloat16


def _k1_body(x_ref, b_ref, wl_ref, attl_ref, attr_ref, w1t_ref,
             tin_ref, tout_ref):
    xb = x_ref[...]
    bb = b_ref[...]
    wl = wl_ref[...]
    w1t = w1t_ref[...]
    vl = jnp.dot(attl_ref[...], wl, preferred_element_type=_f32)
    vr = jnp.dot(attr_ref[...], wl, preferred_element_type=_f32)
    dn = (((1,), (1,)), ((), ()))
    al = lax.dot_general(xb, vl, dn, preferred_element_type=_f32)
    ar = lax.dot_general(xb, vr, dn, preferred_element_type=_f32)
    qin = jnp.dot(xb, w1t[:HID, :], preferred_element_type=_f32) \
        + bb * (w1t[128:129, :] - w1t[129:130, :])
    qout = jnp.dot(xb, w1t[HID + 4:2 * HID + 4, :], preferred_element_type=_f32) \
        + bb * (w1t[261:262, :] - w1t[260:261, :])
    pad = jnp.zeros((xb.shape[0], GCOL - 65), dtype=_bf16)
    tin_ref[...] = jnp.concatenate(
        [qin.astype(_bf16), al.astype(_bf16), pad], axis=1)
    tout_ref[...] = jnp.concatenate(
        [qout.astype(_bf16), ar.astype(_bf16), pad], axis=1)


def _k1(x, b, W_l, attl, attr, W1T):
    BN = 1000
    grid = (N // BN,)
    full = lambda s: pl.BlockSpec(s, lambda i: (0, 0))
    return pl.pallas_call(
        _k1_body,
        grid=grid,
        in_specs=[
            pl.BlockSpec((BN, HID), lambda i: (i, 0)),
            pl.BlockSpec((BN, 1), lambda i: (i, 0)),
            full((HID, HID)),
            full((1, HID)),
            full((1, HID)),
            full((2 * HID + 8, 64)),
        ],
        out_specs=[
            pl.BlockSpec((BN, GCOL), lambda i: (i, 0)),
            pl.BlockSpec((BN, GCOL), lambda i: (i, 0)),
        ],
        out_shape=[
            jax.ShapeDtypeStruct((N, GCOL), _bf16),
            jax.ShapeDtypeStruct((N, GCOL), _bf16),
        ],
    )(x, b, W_l, attl, attr, W1T)


def _k2_body(tin_hbm, tout_hbm, src_hbm, dst_hbm, g_hbm,
             idx_a, idx_b,
             buf_a0, buf_a1, buf_b0, buf_b1, buf_o0, buf_o1,
             tin_s, tout_s,
             sem_a0, sem_a1, sem_b0, sem_b1, sem_w0, sem_w1):
    sid = lax.axis_index("s")
    wid = lax.axis_index("c") * 16 + sid
    tile_base = wid * (CPT * CHUNK)

    rps = N // 16
    st = pl.ds(sid * rps, rps)
    pltpu.sync_copy(tin_hbm.at[st], tin_s.at[st])
    pltpu.sync_copy(tout_hbm.at[st], tout_s.at[st])
    plsc.subcore_barrier()
    bufs_a = [buf_a0, buf_a1]
    bufs_b = [buf_b0, buf_b1]
    bufs_o = [buf_o0, buf_o1]
    sems_a = [sem_a0, sem_a1]
    sems_b = [sem_b0, sem_b1]
    sems_w = [sem_w0, sem_w1]

    pltpu.sync_copy(src_hbm.at[pl.ds(tile_base, CPT * CHUNK)], idx_a)
    pltpu.sync_copy(dst_hbm.at[pl.ds(tile_base, CPT * CHUNK)], idx_b)

    def gathers(i, s):
        sl = pl.ds(i * CHUNK, CHUNK)
        pltpu.async_copy(tin_s.at[idx_a.at[sl]], bufs_a[s], sems_a[s])
        pltpu.async_copy(tout_s.at[idx_b.at[sl]], bufs_b[s], sems_b[s])

    for s in range(2):
        gathers(s, s)

    def step(j, carry):
        for s in range(2):
            i = 2 * j + s
            pltpu.make_async_copy(tin_hbm.at[pl.ds(0, CHUNK)],
                                  bufs_a[s], sems_a[s]).wait()
            pltpu.make_async_copy(tin_hbm.at[pl.ds(0, CHUNK)],
                                  bufs_b[s], sems_b[s]).wait()

            @pl.when(j > 0)
            def _():
                pltpu.make_async_copy(bufs_o[s], g_hbm.at[pl.ds(0, CHUNK)],
                                      sems_w[s]).wait()

            ba, bb, bo = bufs_a[s], bufs_b[s], bufs_o[s]

            @plsc.parallel_loop(0, CHUNK, unroll=8)
            def row(r):
                for k in range(GCOL // 32):
                    c = pl.ds(k * 32, 32)
                    bo[r, c] = ba[r, c] + bb[r, c]

            @pl.when(i + 2 < CPT)
            def _():
                gathers(i + 2, s)

            pltpu.async_copy(bufs_o[s],
                             g_hbm.at[pl.ds(tile_base + i * CHUNK, CHUNK)],
                             sems_w[s])
        return carry
    lax.fori_loop(0, CPT // 2, step, 0)
    for s in range(2):
        pltpu.make_async_copy(bufs_o[s], g_hbm.at[pl.ds(0, CHUNK)],
                              sems_w[s]).wait()


def _k2(Tin, Tout, srcp, dstp):
    mesh = plsc.VectorSubcoreMesh(core_axis_name="c", subcore_axis_name="s")
    return pl.kernel(
        _k2_body,
        out_type=jax.ShapeDtypeStruct((EP, GCOL), _bf16),
        mesh=mesh,
        scratch_types=[
            pltpu.VMEM((CPT * CHUNK,), jnp.int32),
            pltpu.VMEM((CPT * CHUNK,), jnp.int32),
        ] + [pltpu.VMEM((CHUNK, GCOL), _bf16)] * 6 + [
            pltpu.VMEM_SHARED((NPAD, GCOL), _bf16),
            pltpu.VMEM_SHARED((NPAD, GCOL), _bf16),
            pltpu.SemaphoreType.DMA,
            pltpu.SemaphoreType.DMA,
            pltpu.SemaphoreType.DMA,
            pltpu.SemaphoreType.DMA,
            pltpu.SemaphoreType.DMA,
            pltpu.SemaphoreType.DMA,
        ],
        compiler_params=pltpu.CompilerParams(use_tc_tiling_on_sc=False),
    )(Tin, Tout, srcp, dstp)


def _k3_body(g_ref, j_ref, w1t_ref, b1_ref, w2_ref, b2_ref, h_ref):
    g = g_ref[...].astype(_f32)
    w1t = w1t_ref[...]
    uj = (w1t[130:131, :] - w1t[131:132, :]
          + w1t[263:264, :] - w1t[262:263, :])
    h1 = jnp.maximum(g[:, :64] + j_ref[...] * uj + b1_ref[...], 0.0)
    a = g[:, 64:65]
    a = jnp.where(a > 0, a, 0.2 * a)
    w = jnp.exp(a)
    dn = (((1,), (1,)), ((), ()))
    h2 = lax.dot_general((w * h1).astype(_bf16), w2_ref[...].astype(_bf16),
                         dn, preferred_element_type=_f32) \
        + w * b2_ref[...]
    h2 = jnp.maximum(h2, 0.0)
    pad = jnp.zeros((g.shape[0], WCOL - 65), dtype=_f32)
    h_ref[...] = jnp.concatenate([h2, w, pad], axis=1)


def _k3(G, Jp, W1T, b1, W2, b2):
    BE = 1024
    grid = (EP // BE + (1 if EP % BE else 0),)
    full = lambda s: pl.BlockSpec(s, lambda i: (0, 0))
    return pl.pallas_call(
        _k3_body,
        grid=grid,
        in_specs=[
            pl.BlockSpec((BE, GCOL), lambda i: (i, 0)),
            pl.BlockSpec((BE, 1), lambda i: (i, 0)),
            full((2 * HID + 8, 64)),
            full((1, 64)),
            full((64, 64)),
            full((1, 64)),
        ],
        out_specs=pl.BlockSpec((BE, WCOL), lambda i: (i, 0)),
        out_shape=jax.ShapeDtypeStruct((EP, WCOL), _f32),
    )(G, Jp, W1T, b1, W2, b2)


def _k4_body(h_hbm, dst_hbm, acc_hbm, idx_v, rows_v, rows_v2, zbuf, acc,
             sem, sem2):
    cid = lax.axis_index("c")
    sid = lax.axis_index("s")
    wid = cid * 16 + sid
    rpt = NPAD // 16

    def zrow(r, c2):
        for k in range(WCOL // 16):
            zbuf[r, pl.ds(k * 16, 16)] = jnp.zeros((16,), _f32)
        return c2
    lax.fori_loop(0, rpt, zrow, 0)
    pltpu.sync_copy(zbuf, acc.at[pl.ds(sid * rpt, rpt)])
    plsc.subcore_barrier()

    tile_base = wid * (CPT * CHUNK)
    bufs = [rows_v, rows_v2]
    sems = [sem, sem2]
    pltpu.sync_copy(dst_hbm.at[pl.ds(wid * CPT, CPT)], idx_v)

    def load(i, s):
        pltpu.async_copy(h_hbm.at[pl.ds(tile_base + i * CHUNK, CHUNK)],
                         bufs[s], sems[s])

    for s in range(2):
        load(s, s)

    def step(j, carry):
        for s in range(2):
            i = 2 * j + s
            pltpu.make_async_copy(h_hbm.at[pl.ds(0, CHUNK)],
                                  bufs[s], sems[s]).wait()
            pltpu.sync_copy(bufs[s], acc.at[idx_v.at[i]], add=True)

            @pl.when(i + 2 < CPT)
            def _():
                load(i + 2, s)
        return carry
    lax.fori_loop(0, CPT // 2, step, 0)

    plsc.subcore_barrier()
    pltpu.sync_copy(acc.at[pl.ds(sid * rpt, rpt)], zbuf)
    pltpu.sync_copy(zbuf, acc_hbm.at[cid, pl.ds(sid * rpt, rpt)])


def _k4(H, dst_scat):
    mesh = plsc.VectorSubcoreMesh(core_axis_name="c", subcore_axis_name="s")
    return pl.kernel(
        _k4_body,
        out_type=jax.ShapeDtypeStruct((2, NPAD, WCOL), _f32),
        mesh=mesh,
        scratch_types=[
            pltpu.VMEM((CPT, CHUNK), jnp.int32),
            pltpu.VMEM((CHUNK, WCOL), _f32),
            pltpu.VMEM((CHUNK, WCOL), _f32),
            pltpu.VMEM((NPAD // 16, WCOL), _f32),
            pltpu.VMEM_SHARED((NPAD, WCOL), _f32),
            pltpu.SemaphoreType.DMA,
            pltpu.SemaphoreType.DMA,
        ],
        compiler_params=pltpu.CompilerParams(use_tc_tiling_on_sc=False),
    )(H, dst_scat)


def _k5_body(acc_ref, x_ref, w3_ref, b3_ref, wih_ref, bih_ref,
             whh_ref, bhh_ref, gb_ref, out_ref):
    a = acc_ref[0] + acc_ref[1]
    xb = x_ref[...]
    ws = a[:, 64:65]
    inv = 1.0 / (ws + 1e-16)
    salpha = ws * inv
    dn = (((1,), (1,)), ((), ()))
    agg = lax.dot_general(a[:, :64] * inv, w3_ref[...], dn,
                          preferred_element_type=_f32) \
        + b3_ref[...] * salpha
    gi = lax.dot_general(agg, wih_ref[...], dn,
                         preferred_element_type=_f32) + bih_ref[...]
    gh = lax.dot_general(xb, whh_ref[...], dn,
                         preferred_element_type=_f32) + bhh_ref[...]
    r = jax.nn.sigmoid(gi[:, :HID] + gh[:, :HID])
    z = jax.nn.sigmoid(gi[:, HID:2 * HID] + gh[:, HID:2 * HID])
    n = jnp.tanh(gi[:, 2 * HID:] + r * gh[:, 2 * HID:])
    out_ref[...] = (1.0 - z) * n + z * xb + gb_ref[...]


def _k5(acc, x, W3, b3, Wih, bih, Whh, bhh, gbias):
    BN = 1000
    grid = (N // BN,)
    full = lambda s: pl.BlockSpec(s, lambda i: tuple(0 for _ in s))
    return pl.pallas_call(
        _k5_body,
        grid=grid,
        in_specs=[
            pl.BlockSpec((2, BN, WCOL), lambda i: (0, i, 0)),
            pl.BlockSpec((BN, HID), lambda i: (i, 0)),
            full((HID, 64)),
            full((1, HID)),
            full((3 * HID, HID)),
            full((1, 3 * HID)),
            full((3 * HID, HID)),
            full((1, 3 * HID)),
            full((1, HID)),
        ],
        out_specs=pl.BlockSpec((BN, HID), lambda i: (i, 0)),
        out_shape=jax.ShapeDtypeStruct((N, HID), _f32),
    )(acc, x, W3, b3, Wih, bih, Whh, bhh, gbias)


def kernel(x, edge_index, J_msg, b, idx_msg_edge, W_l, att_l, att_r, gat_bias,
           msg_W1, msg_b1, msg_W2, msg_b2, msg_W3, msg_b3,
           gru_Wih, gru_bih, gru_Whh, gru_bhh):
    del idx_msg_edge

    attl = att_l.reshape(1, HID)
    attr = att_r.reshape(1, HID)
    W1T = msg_W1.T
    b1 = msg_b1.reshape(1, 64)
    b2 = msg_b2.reshape(1, 64)
    b3 = msg_b3.reshape(1, HID)
    bih = gru_bih.reshape(1, 3 * HID)
    bhh = gru_bhh.reshape(1, 3 * HID)
    gbias = gat_bias.reshape(1, HID)

    src = edge_index[:, 0].astype(jnp.int32)
    dst = edge_index[:, 1].astype(jnp.int32)
    npad = EP - E
    srcp = jnp.concatenate([src, jnp.zeros((npad,), jnp.int32)])
    dstp = jnp.concatenate([dst, jnp.zeros((npad,), jnp.int32)])
    dst_scat = jnp.concatenate(
        [dst, jnp.full((npad,), N, jnp.int32)]).reshape(NW * CPT, CHUNK)
    Jp = jnp.concatenate([J_msg, jnp.zeros((npad, 1), _f32)], axis=0)

    Tin, Tout = _k1(x, b, W_l, attl, attr, W1T)
    G = _k2(Tin, Tout, srcp, dstp)
    H = _k3(G, Jp, W1T, b1, msg_W2, b2)
    acc = _k4(H, dst_scat)
    out = _k5(acc, x, msg_W3, b3, gru_Wih, bih, gru_Whh, bhh, gbias)
    return out

# --- scband reference (transcript-rebuilt; emitter-appended) ---
"""Pipeline reference for scband-torch-gnn-85650237817340 (READ-ONLY COPY).

The authoritative reference and input builder live on the scoring server;
editing this copy changes nothing except your own understanding.
"""

import jax, jax.numpy as jnp
import numpy as np

N_NODES = 10000
N_EDGES = 320000
HID = 128


def _xavier(key, shape):
    fan_in, fan_out = shape[1], shape[0]
    limit = float(np.sqrt(6.0 / (fan_in + fan_out)))
    return jax.random.uniform(key, shape, dtype=jnp.float32, minval=-limit, maxval=limit)


def setup_inputs(seed: int = 0) -> dict:
    key = jax.random.key(seed)
    ks = jax.random.split(key, 20)
    x = jax.random.normal(ks[0], (N_NODES, HID), dtype=jnp.float32)
    edge_index = jax.random.randint(ks[1], (N_EDGES, 2), 0, N_NODES, dtype=jnp.int64)
    J_msg = jax.random.normal(ks[2], (N_EDGES, 1), dtype=jnp.float32)
    b = jax.random.normal(ks[3], (N_NODES, 1), dtype=jnp.float32)
    idx_msg_edge = jax.random.randint(ks[4], (N_EDGES,), 0, N_EDGES, dtype=jnp.int64)
    # GATConv params (heads=1, out_channels=HID)
    W_l = _xavier(ks[5], (HID, HID))
    att_l = jax.random.normal(ks[6], (1, 1, HID), dtype=jnp.float32) * 0.1
    att_r = jax.random.normal(ks[7], (1, 1, HID), dtype=jnp.float32) * 0.1
    gat_bias = jnp.zeros((HID,), dtype=jnp.float32)
    # msg_func MLP: Linear(2*HID+8, 64) -> ReLU -> Linear(64,64) -> ReLU -> Linear(64, HID)
    msg_W1 = _xavier(ks[8], (64, 2 * HID + 8))
    msg_b1 = jnp.zeros((64,), dtype=jnp.float32)
    msg_W2 = _xavier(ks[9], (64, 64))
    msg_b2 = jnp.zeros((64,), dtype=jnp.float32)
    msg_W3 = _xavier(ks[10], (HID, 64))
    msg_b3 = jnp.zeros((HID,), dtype=jnp.float32)
    # GRUCell(HID, HID)
    stdv = 1.0 / np.sqrt(HID)
    gru_Wih = jax.random.uniform(ks[11], (3 * HID, HID), dtype=jnp.float32, minval=-stdv, maxval=stdv)
    gru_bih = jax.random.uniform(ks[12], (3 * HID,), dtype=jnp.float32, minval=-stdv, maxval=stdv)
    gru_Whh = jax.random.uniform(ks[13], (3 * HID, HID), dtype=jnp.float32, minval=-stdv, maxval=stdv)
    gru_bhh = jax.random.uniform(ks[14], (3 * HID,), dtype=jnp.float32, minval=-stdv, maxval=stdv)
    return {
        "x": x, "edge_index": edge_index, "J_msg": J_msg, "b": b, "idx_msg_edge": idx_msg_edge,
        "W_l": W_l, "att_l": att_l, "att_r": att_r, "gat_bias": gat_bias,
        "msg_W1": msg_W1, "msg_b1": msg_b1, "msg_W2": msg_W2, "msg_b2": msg_b2,
        "msg_W3": msg_W3, "msg_b3": msg_b3,
        "gru_Wih": gru_Wih, "gru_bih": gru_bih, "gru_Whh": gru_Whh, "gru_bhh": gru_bhh,
    }


def reference(x, edge_index, J_msg, b, idx_msg_edge, W_l, att_l, att_r, gat_bias,
              msg_W1, msg_b1, msg_W2, msg_b2, msg_W3, msg_b3,
              gru_Wih, gru_bih, gru_Whh, gru_bhh):
    N = x.shape[0]
    edge_in = edge_index[:, 0]
    edge_out = edge_index[:, 1]
    # edge features
    b_in = jnp.take(b, edge_in, axis=0)
    b_out = jnp.take(b, edge_out, axis=0)
    ff_in = jnp.concatenate([b_in, -b_in, J_msg, -J_msg], axis=1)
    ff_out = jnp.concatenate([-b_out, b_out, -J_msg, J_msg], axis=1)
    state_in = jnp.take(x, edge_in, axis=0)
    state_out = jnp.take(x, edge_out, axis=0)
    # GAT attention logits (heads=1)
    x_l = x @ W_l.T  # [N, HID]
    x_lh = x_l.reshape(N, 1, -1)
    alpha_l = (x_lh * att_l).sum(-1)  # [N, 1]
    alpha_r = (x_lh * att_r).sum(-1)  # [N, 1]
    alpha = jnp.take(alpha_l, edge_in, axis=0) + jnp.take(alpha_r, edge_out, axis=0)  # [E,1]
    alpha = jax.nn.leaky_relu(alpha, 0.2)
    # segment softmax over destination nodes
    seg = edge_out
    amax = jax.ops.segment_max(alpha, seg, num_segments=N)
    amax = jnp.where(jnp.isfinite(amax), amax, 0.0)
    alpha = jnp.exp(alpha - jnp.take(amax, seg, axis=0))
    denom = jax.ops.segment_sum(alpha, seg, num_segments=N)
    alpha = alpha / (jnp.take(denom, seg, axis=0) + 1e-16)
    # message MLP
    msg_in = jnp.concatenate([state_in, ff_in, state_out, ff_out], axis=1)  # [E, 2*HID+8]
    h = jax.nn.relu(msg_in @ msg_W1.T + msg_b1)
    h = jax.nn.relu(h @ msg_W2.T + msg_b2)
    m = h @ msg_W3.T + msg_b3  # [E, HID]
    m = m * alpha  # attention-weighted messages
    # aggregate (sum over incoming edges per dst node)
    agg = jax.ops.segment_sum(m, seg, num_segments=N)  # [N, HID]
    # GRUCell update: input=agg, hidden=x (state_prev)
    gi = agg @ gru_Wih.T + gru_bih
    gh = x @ gru_Whh.T + gru_bhh
    i_r, i_z, i_n = jnp.split(gi, 3, axis=1)
    h_r, h_z, h_n = jnp.split(gh, 3, axis=1)
    r = jax.nn.sigmoid(i_r + h_r)
    z = jax.nn.sigmoid(i_z + h_z)
    n = jnp.tanh(i_n + r * h_n)
    out = (1.0 - z) * n + z * x
    # concat heads (H=1) and add GAT bias
    out = out + gat_bias
    return out

if __name__ == "__main__":
    import jax
    _d = setup_inputs()
    print(jax.jit(kernel)(*tuple(_d.values())))

</pallas_src>

<mosaic_0001>
#map = affine_map<(d0, d1) -> (0, 0)>
#map1 = affine_map<(d0, d1) -> (0)>
module attributes {stable_mosaic.version = 14 : i64} {
  func.func @_k2_body(%arg0: i32, %arg1: i32, %arg2: memref<10000x96xbf16, #tpu.memory_space<hbm>>, %arg3: memref<10000x96xbf16, #tpu.memory_space<hbm>>, %arg4: memref<322560xi32, #tpu.memory_space<hbm>>, %arg5: memref<322560xi32, #tpu.memory_space<hbm>>, %arg6: memref<322560x96xbf16, #tpu.memory_space<hbm>>, %arg7: memref<10080xi32, #tpu.memory_space<vmem>>, %arg8: memref<10080xi32, #tpu.memory_space<vmem>>, %arg9: memref<112x96xbf16, #tpu.memory_space<vmem>>, %arg10: memref<112x96xbf16, #tpu.memory_space<vmem>>, %arg11: memref<112x96xbf16, #tpu.memory_space<vmem>>, %arg12: memref<112x96xbf16, #tpu.memory_space<vmem>>, %arg13: memref<112x96xbf16, #tpu.memory_space<vmem>>, %arg14: memref<112x96xbf16, #tpu.memory_space<vmem>>, %arg15: memref<10016x96xbf16, #tpu.memory_space<vmem_shared>>, %arg16: memref<10016x96xbf16, #tpu.memory_space<vmem_shared>>, %arg17: memref<!tpu.dma_semaphore, #tpu.memory_space<semaphore_mem>>, %arg18: memref<!tpu.dma_semaphore, #tpu.memory_space<semaphore_mem>>, %arg19: memref<!tpu.dma_semaphore, #tpu.memory_space<semaphore_mem>>, %arg20: memref<!tpu.dma_semaphore, #tpu.memory_space<semaphore_mem>>, %arg21: memref<!tpu.dma_semaphore, #tpu.memory_space<semaphore_mem>>, %arg22: memref<!tpu.dma_semaphore, #tpu.memory_space<semaphore_mem>>) attributes {dimension_semantics = [#tpu.dimension_semantics<core_parallel>, #tpu.dimension_semantics<subcore_parallel>], iteration_bounds = array<i64: 2, 16>, scalar_prefetch = 0 : i64, scratch_operands = 16 : i64, tpu.core_type = #tpu.core_type<sc_vector_subcore>, window_params = [{transform_indices = #map}, {transform_indices = #map}, {transform_indices = #map1}, {transform_indices = #map1}, {transform_indices = #map}]} {
    %mul3A = arith.constant 16 : i32
    %mul3A_0 = arith.muli %arg0, %mul3A : i32
    %add3A = arith.addi %mul3A_0, %arg1 : i32
    %mul3A_1 = arith.constant 10080 : i32
    %mul3A_2 = arith.muli %add3A, %mul3A_1 : i32
    %mul3A_3 = arith.constant 625 : i32
    %mul3A_4 = arith.muli %arg1, %mul3A_3 : i32
    "tpu.region"() ({
      %run_scoped3A = tpu.sem_alloc : memref<!tpu.dma_semaphore, #tpu.memory_space<semaphore_mem>>
      %dma_start3A_40 = arith.constant 0 : i32
      %dma_start3A_41 = tpu.memref_slice %arg15[%mul3A_4, %dma_start3A_40] : memref<10016x96xbf16, #tpu.memory_space<vmem_shared>> -> memref<625x96xbf16, #tpu.memory_space<vmem_shared>>
      %dma_start3A_42 = arith.constant 0 : i32
      %dma_start3A_43 = tpu.memref_slice %arg2[%mul3A_4, %dma_start3A_42] : memref<10000x96xbf16, #tpu.memory_space<hbm>> -> memref<625x96xbf16, #tpu.memory_space<hbm>>
      tpu.enqueue_dma source(%dma_start3A_43 : memref<625x96xbf16, #tpu.memory_space<hbm>>) target(%dma_start3A_41 : memref<625x96xbf16, #tpu.memory_space<vmem_shared>>) target_semaphore(%run_scoped3A : memref<!tpu.dma_semaphore, #tpu.memory_space<semaphore_mem>>)
      %dma_wait3A_44 = arith.constant 0 : i32
      %dma_wait3A_45 = tpu.memref_slice %arg15[%mul3A_4, %dma_wait3A_44] : memref<10016x96xbf16, #tpu.memory_space<vmem_shared>> -> memref<625x96xbf16, #tpu.memory_space<vmem_shared>>
      %dma_wait3A_46 = arith.constant 0 : i32
      %dma_wait3A_47 = tpu.memref_slice %arg2[%mul3A_4, %dma_wait3A_46] : memref<10000x96xbf16, #tpu.memory_space<hbm>> -> memref<625x96xbf16, #tpu.memory_space<hbm>>
      tpu.wait_dma2 semaphore(%run_scoped3A : memref<!tpu.dma_semaphore, #tpu.memory_space<semaphore_mem>>) src(%dma_wait3A_47 : memref<625x96xbf16, #tpu.memory_space<hbm>>) dst(%dma_wait3A_45 : memref<625x96xbf16, #tpu.memory_space<vmem_shared>>)
      tpu.yield
    }) : () -> ()
    "tpu.region"() ({
      %run_scoped3A = tpu.sem_alloc : memref<!tpu.dma_semaphore, #tpu.memory_space<semaphore_mem>>
      %dma_start3A_40 = arith.constant 0 : i32
      %dma_start3A_41 = tpu.memref_slice %arg16[%mul3A_4, %dma_start3A_40] : memref<10016x96xbf16, #tpu.memory_space<vmem_shared>> -> memref<625x96xbf16, #tpu.memory_space<vmem_shared>>
      %dma_start3A_42 = arith.constant 0 : i32
      %dma_start3A_43 = tpu.memref_slice %arg3[%mul3A_4, %dma_start3A_42] : memref<10000x96xbf16, #tpu.memory_space<hbm>> -> memref<625x96xbf16, #tpu.memory_space<hbm>>
      tpu.enqueue_dma source(%dma_start3A_43 : memref<625x96xbf16, #tpu.memory_space<hbm>>) target(%dma_start3A_41 : memref<625x96xbf16, #tpu.memory_space<vmem_shared>>) target_semaphore(%run_scoped3A : memref<!tpu.dma_semaphore, #tpu.memory_space<semaphore_mem>>)
      %dma_wait3A_44 = arith.constant 0 : i32
      %dma_wait3A_45 = tpu.memref_slice %arg16[%mul3A_4, %dma_wait3A_44] : memref<10016x96xbf16, #tpu.memory_space<vmem_shared>> -> memref<625x96xbf16, #tpu.memory_space<vmem_shared>>
      %dma_wait3A_46 = arith.constant 0 : i32
      %dma_wait3A_47 = tpu.memref_slice %arg3[%mul3A_4, %dma_wait3A_46] : memref<10000x96xbf16, #tpu.memory_space<hbm>> -> memref<625x96xbf16, #tpu.memory_space<hbm>>
      tpu.wait_dma2 semaphore(%run_scoped3A : memref<!tpu.dma_semaphore, #tpu.memory_space<semaphore_mem>>) src(%dma_wait3A_47 : memref<625x96xbf16, #tpu.memory_space<hbm>>) dst(%dma_wait3A_45 : memref<625x96xbf16, #tpu.memory_space<vmem_shared>>)
      tpu.yield
    }) : () -> ()
    %barrier3A = arith.constant 0 : index
    tpu.barrier barrier_id(%barrier3A)
    "tpu.region"() ({
      %run_scoped3A = tpu.sem_alloc : memref<!tpu.dma_semaphore, #tpu.memory_space<semaphore_mem>>
      %dma_start3A_40 = tpu.memref_slice %arg4[%mul3A_2] : memref<322560xi32, #tpu.memory_space<hbm>> -> memref<10080xi32, #tpu.memory_space<hbm>>
      %dma_start3A_41 = tpu.memref_slice %arg4[%mul3A_2] : memref<322560xi32, #tpu.memory_space<hbm>> -> memref<10080xi32, #tpu.memory_space<hbm>>
      tpu.enqueue_dma source(%dma_start3A_41 : memref<10080xi32, #tpu.memory_space<hbm>>) target(%arg7 : memref<10080xi32, #tpu.memory_space<vmem>>) target_semaphore(%run_scoped3A : memref<!tpu.dma_semaphore, #tpu.memory_space<semaphore_mem>>)
      %dma_wait3A_42 = tpu.memref_slice %arg4[%mul3A_2] : memref<322560xi32, #tpu.memory_space<hbm>> -> memref<10080xi32, #tpu.memory_space<hbm>>
      %dma_wait3A_43 = tpu.memref_slice %arg4[%mul3A_2] : memref<322560xi32, #tpu.memory_space<hbm>> -> memref<10080xi32, #tpu.memory_space<hbm>>
      tpu.wait_dma2 semaphore(%run_scoped3A : memref<!tpu.dma_semaphore, #tpu.memory_space<semaphore_mem>>) src(%dma_wait3A_43 : memref<10080xi32, #tpu.memory_space<hbm>>) dst(%arg7 : memref<10080xi32, #tpu.memory_space<vmem>>)
      tpu.yield
    }) : () -> ()
    "tpu.region"() ({
      %run_scoped3A = tpu.sem_alloc : memref<!tpu.dma_semaphore, #tpu.memory_space<semaphore_mem>>
      %dma_start3A_40 = tpu.memref_slice %arg5[%mul3A_2] : memref<322560xi32, #tpu.memory_space<hbm>> -> memref<10080xi32, #tpu.memory_space<hbm>>
      %dma_start3A_41 = tpu.memref_slice %arg5[%mul3A_2] : memref<322560xi32, #tpu.memory_space<hbm>> -> memref<10080xi32, #tpu.memory_space<hbm>>
      tpu.enqueue_dma source(%dma_start3A_41 : memref<10080xi32, #tpu.memory_space<hbm>>) target(%arg8 : memref<10080xi32, #tpu.memory_space<vmem>>) target_semaphore(%run_scoped3A : memref<!tpu.dma_semaphore, #tpu.memory_space<semaphore_mem>>)
      %dma_wait3A_42 = tpu.memref_slice %arg5[%mul3A_2] : memref<322560xi32, #tpu.memory_space<hbm>> -> memref<10080xi32, #tpu.memory_space<hbm>>
      %dma_wait3A_43 = tpu.memref_slice %arg5[%mul3A_2] : memref<322560xi32, #tpu.memory_space<hbm>> -> memref<10080xi32, #tpu.memory_space<hbm>>
      tpu.wait_dma2 semaphore(%run_scoped3A : memref<!tpu.dma_semaphore, #tpu.memory_space<semaphore_mem>>) src(%dma_wait3A_43 : memref<10080xi32, #tpu.memory_space<hbm>>) dst(%arg8 : memref<10080xi32, #tpu.memory_space<vmem>>)
      tpu.yield
    }) : () -> ()
    %dma_start3A = arith.constant 0 : i32
    %dma_start3A_5 = tpu.memref_slice %arg7[%dma_start3A] : memref<10080xi32, #tpu.memory_space<vmem>> -> memref<112xi32, #tpu.memory_space<vmem>>
    %dma_start3A_6 = arith.constant 0 : i32
    %dma_start3A_7 = arith.constant 0 : i32
    %dma_start3A_8 = tpu.memref_slice %arg15[%dma_start3A_6, %dma_start3A_7] : memref<10016x96xbf16, #tpu.memory_space<vmem_shared>> -> memref<10016x96xbf16, #tpu.memory_space<vmem_shared>>
    tpu.enqueue_indirect_dma source(%dma_start3A_8 : memref<10016x96xbf16, #tpu.memory_space<vmem_shared>>) target(%arg9 : memref<112x96xbf16, #tpu.memory_space<vmem>>) offsets(%dma_start3A_5 : memref<112xi32, #tpu.memory_space<vmem>>) semaphore(%arg17 : memref<!tpu.dma_semaphore, #tpu.memory_space<semaphore_mem>>)
    %dma_start3A_9 = arith.constant 0 : i32
    %dma_start3A_10 = tpu.memref_slice %arg8[%dma_start3A_9] : memref<10080xi32, #tpu.memory_space<vmem>> -> memref<112xi32, #tpu.memory_space<vmem>>
    %dma_start3A_11 = arith.constant 0 : i32
    %dma_start3A_12 = arith.constant 0 : i32
    %dma_start3A_13 = tpu.memref_slice %arg16[%dma_start3A_11, %dma_start3A_12] : memref<10016x96xbf16, #tpu.memory_space<vmem_shared>> -> memref<10016x96xbf16, #tpu.memory_space<vmem_shared>>
    tpu.enqueue_indirect_dma source(%dma_start3A_13 : memref<10016x96xbf16, #tpu.memory_space<vmem_shared>>) target(%arg11 : memref<112x96xbf16, #tpu.memory_space<vmem>>) offsets(%dma_start3A_10 : memref<112xi32, #tpu.memory_space<vmem>>) semaphore(%arg19 : memref<!tpu.dma_semaphore, #tpu.memory_space<semaphore_mem>>)
    %dma_start3A_14 = arith.constant 112 : i32
    %dma_start3A_15 = tpu.memref_slice %arg7[%dma_start3A_14] : memref<10080xi32, #tpu.memory_space<vmem>> -> memref<112xi32, #tpu.memory_space<vmem>>
    %dma_start3A_16 = arith.constant 0 : i32
    %dma_start3A_17 = arith.constant 0 : i32
    %dma_start3A_18 = tpu.memref_slice %arg15[%dma_start3A_16, %dma_start3A_17] : memref<10016x96xbf16, #tpu.memory_space<vmem_shared>> -> memref<10016x96xbf16, #tpu.memory_space<vmem_shared>>
    tpu.enqueue_indirect_dma source(%dma_start3A_18 : memref<10016x96xbf16, #tpu.memory_space<vmem_shared>>) target(%arg10 : memref<112x96xbf16, #tpu.memory_space<vmem>>) offsets(%dma_start3A_15 : memref<112xi32, #tpu.memory_space<vmem>>) semaphore(%arg18 : memref<!tpu.dma_semaphore, #tpu.memory_space<semaphore_mem>>)
    %dma_start3A_19 = arith.constant 112 : i32
    %dma_start3A_20 = tpu.memref_slice %arg8[%dma_start3A_19] : memref<10080xi32, #tpu.memory_space<vmem>> -> memref<112xi32, #tpu.memory_space<vmem>>
    %dma_start3A_21 = arith.constant 0 : i32
    %dma_start3A_22 = arith.constant 0 : i32
    %dma_start3A_23 = tpu.memref_slice %arg16[%dma_start3A_21, %dma_start3A_22] : memref<10016x96xbf16, #tpu.memory_space<vmem_shared>> -> memref<10016x96xbf16, #tpu.memory_space<vmem_shared>>
    tpu.enqueue_indirect_dma source(%dma_start3A_23 : memref<10016x96xbf16, #tpu.memory_space<vmem_shared>>) target(%arg12 : memref<112x96xbf16, #tpu.memory_space<vmem>>) offsets(%dma_start3A_20 : memref<112xi32, #tpu.memory_space<vmem>>) semaphore(%arg20 : memref<!tpu.dma_semaphore, #tpu.memory_space<semaphore_mem>>)
    %scan3A = arith.constant 0 : i32
    %scan3A_24 = arith.constant 0 : i32
    %scan3A_25 = arith.constant 45 : i32
    %scan3A_26 = arith.addi %scan3A_24, %scan3A_25 : i32
    %scan3A_27 = arith.constant 1 : i32
    scf.for %scan3A_40 = %scan3A_24 to %scan3A_26 step %scan3A_27  : i32 {
      %mul3A_41 = arith.constant 2 : i32
      %mul3A_42 = arith.muli %mul3A_41, %scan3A_40 : i32
      %add3A_43 = arith.constant 0 : i32
      %add3A_44 = arith.addi %mul3A_42, %add3A_43 : i32
      %dma_wait3A_45 = arith.constant 0 : i32
      %dma_wait3A_46 = arith.constant 0 : i32
      %dma_wait3A_47 = tpu.memref_slice %arg2[%dma_wait3A_45, %dma_wait3A_46] : memref<10000x96xbf16, #tpu.memory_space<hbm>> -> memref<112x96xbf16, #tpu.memory_space<hbm>>
      %dma_wait3A_48 = arith.constant 0 : i32
      %dma_wait3A_49 = arith.constant 0 : i32
      %dma_wait3A_50 = tpu.memref_slice %arg2[%dma_wait3A_48, %dma_wait3A_49] : memref<10000x96xbf16, #tpu.memory_space<hbm>> -> memref<112x96xbf16, #tpu.memory_space<hbm>>
      tpu.wait_dma2 semaphore(%arg17 : memref<!tpu.dma_semaphore, #tpu.memory_space<semaphore_mem>>) src(%dma_wait3A_50 : memref<112x96xbf16, #tpu.memory_space<hbm>>) dst(%arg9 : memref<112x96xbf16, #tpu.memory_space<vmem>>)
      %dma_wait3A_51 = arith.constant 0 : i32
      %dma_wait3A_52 = arith.constant 0 : i32
      %dma_wait3A_53 = tpu.memref_slice %arg2[%dma_wait3A_51, %dma_wait3A_52] : memref<10000x96xbf16, #tpu.memory_space<hbm>> -> memref<112x96xbf16, #tpu.memory_space<hbm>>
      %dma_wait3A_54 = arith.constant 0 : i32
      %dma_wait3A_55 = arith.constant 0 : i32
      %dma_wait3A_56 = tpu.memref_slice %arg2[%dma_wait3A_54, %dma_wait3A_55] : memref<10000x96xbf16, #tpu.memory_space<hbm>> -> memref<112x96xbf16, #tpu.memory_space<hbm>>
      tpu.wait_dma2 semaphore(%arg19 : memref<!tpu.dma_semaphore, #tpu.memory_space<semaphore_mem>>) src(%dma_wait3A_56 : memref<112x96xbf16, #tpu.memory_space<hbm>>) dst(%arg11 : memref<112x96xbf16, #tpu.memory_space<vmem>>)
      %gt3A = arith.constant 0 : i32
      %gt3A_57 = arith.cmpi sgt, %scan3A_40, %gt3A : i32
      %convert_element_type3A = arith.extui %gt3A_57 : i1 to i32
      %cond3A = arith.constant 0 : i32
      %cond3A_58 = arith.cmpi ne, %convert_element_type3A, %cond3A : i32
      scf.if %cond3A_58 {
        %dma_wait3A_112 = arith.constant 0 : i32
        %dma_wait3A_113 = arith.constant 0 : i32
        %dma_wait3A_114 = tpu.memref_slice %arg6[%dma_wait3A_112, %dma_wait3A_113] : memref<322560x96xbf16, #tpu.memory_space<hbm>> -> memref<112x96xbf16, #tpu.memory_space<hbm>>
        %dma_wait3A_115 = arith.constant 0 : i32
        %dma_wait3A_116 = arith.constant 0 : i32
        %dma_wait3A_117 = tpu.memref_slice %arg6[%dma_wait3A_115, %dma_wait3A_116] : memref<322560x96xbf16, #tpu.memory_space<hbm>> -> memref<112x96xbf16, #tpu.memory_space<hbm>>
        tpu.wait_dma2 semaphore(%arg21 : memref<!tpu.dma_semaphore, #tpu.memory_space<semaphore_mem>>) src(%arg13 : memref<112x96xbf16, #tpu.memory_space<vmem>>) dst(%dma_wait3A_117 : memref<112x96xbf16, #tpu.memory_space<hbm>>)
      } else {
      }
      %parallel_loop3A = arith.constant 0 : i32
      %parallel_loop3A_59 = arith.constant 112 : i32
      %parallel_loop3A_60 = arith.constant 1 : i32
      scf.for %parallel_loop3A_112 = %parallel_loop3A to %parallel_loop3A_59 step %parallel_loop3A_60  : i32 {
        %parallel_loop3A_113 = arith.index_cast %parallel_loop3A_112 : i32 to index
        %parallel_loop3A_114 = arith.constant 0 : index
        %parallel_loop3A_115 = tpu.vector_load %arg9[%parallel_loop3A_113, %parallel_loop3A_114] {strides = array<i32>} : memref<112x96xbf16, #tpu.memory_space<vmem>>, vector<1x32xbf16>,
        %parallel_loop3A_116 = vector.shape_cast %parallel_loop3A_115 : vector<1x32xbf16> to vector<32xbf16>
        %parallel_loop3A_117 = arith.index_cast %parallel_loop3A_112 : i32 to index
        %parallel_loop3A_118 = arith.constant 0 : index
        %parallel_loop3A_119 = tpu.vector_load %arg11[%parallel_loop3A_117, %parallel_loop3A_118] {strides = array<i32>} : memref<112x96xbf16, #tpu.memory_space<vmem>>, vector<1x32xbf16>,
        %parallel_loop3A_120 = vector.shape_cast %parallel_loop3A_119 : vector<1x32xbf16> to vector<32xbf16>
        %parallel_loop3A_121 = arith.addf %parallel_loop3A_116, %parallel_loop3A_120 : vector<32xbf16>
        %parallel_loop3A_122 = arith.index_cast %parallel_loop3A_112 : i32 to index
        %parallel_loop3A_123 = arith.constant 0 : index
        %parallel_loop3A_124 = tpu.vector_load %arg13[%parallel_loop3A_122, %parallel_loop3A_123] {strides = array<i32>} : memref<112x96xbf16, #tpu.memory_space<vmem>>, vector<1x32xbf16>,
        %parallel_loop3A_125 = vector.shape_cast %parallel_loop3A_124 : vector<1x32xbf16> to vector<32xbf16>
        %parallel_loop3A_126 = vector.shape_cast %parallel_loop3A_121 : vector<32xbf16> to vector<1x32xbf16>
        tpu.vector_store %arg13[%parallel_loop3A_122, %parallel_loop3A_123], %parallel_loop3A_126 {strides = array<i32>} : memref<112x96xbf16, #tpu.memory_space<vmem>>, vector<1x32xbf16>,
        %parallel_loop3A_127 = arith.index_cast %parallel_loop3A_112 : i32 to index
        %parallel_loop3A_128 = arith.constant 32 : index
        %parallel_loop3A_129 = tpu.vector_load %arg9[%parallel_loop3A_127, %parallel_loop3A_128] {strides = array<i32>} : memref<112x96xbf16, #tpu.memory_space<vmem>>, vector<1x32xbf16>,
        %parallel_loop3A_130 = vector.shape_cast %parallel_loop3A_129 : vector<1x32xbf16> to vector<32xbf16>
        %parallel_loop3A_131 = arith.index_cast %parallel_loop3A_112 : i32 to index
        %parallel_loop3A_132 = arith.constant 32 : index
        %parallel_loop3A_133 = tpu.vector_load %arg11[%parallel_loop3A_131, %parallel_loop3A_132] {strides = array<i32>} : memref<112x96xbf16, #tpu.memory_space<vmem>>, vector<1x32xbf16>,
        %parallel_loop3A_134 = vector.shape_cast %parallel_loop3A_133 : vector<1x32xbf16> to vector<32xbf16>
        %parallel_loop3A_135 = arith.addf %parallel_loop3A_130, %parallel_loop3A_134 : vector<32xbf16>
        %parallel_loop3A_136 = arith.index_cast %parallel_loop3A_112 : i32 to index
        %parallel_loop3A_137 = arith.constant 32 : index
        %parallel_loop3A_138 = tpu.vector_load %arg13[%parallel_loop3A_136, %parallel_loop3A_137] {strides = array<i32>} : memref<112x96xbf16, #tpu.memory_space<vmem>>, vector<1x32xbf16>,
        %parallel_loop3A_139 = vector.shape_cast %parallel_loop3A_138 : vector<1x32xbf16> to vector<32xbf16>
        %parallel_loop3A_140 = vector.shape_cast %parallel_loop3A_135 : vector<32xbf16> to vector<1x32xbf16>
        tpu.vector_store %arg13[%parallel_loop3A_136, %parallel_loop3A_137], %parallel_loop3A_140 {strides = array<i32>} : memref<112x96xbf16, #tpu.memory_space<vmem>>, vector<1x32xbf16>,
        %parallel_loop3A_141 = arith.index_cast %parallel_loop3A_112 : i32 to index
        %parallel_loop3A_142 = arith.constant 64 : index
        %parallel_loop3A_143 = tpu.vector_load %arg9[%parallel_loop3A_141, %parallel_loop3A_142] {strides = array<i32>} : memref<112x96xbf16, #tpu.memory_space<vmem>>, vector<1x32xbf16>,
        %parallel_loop3A_144 = vector.shape_cast %parallel_loop3A_143 : vector<1x32xbf16> to vector<32xbf16>
        %parallel_loop3A_145 = arith.index_cast %parallel_loop3A_112 : i32 to index
        %parallel_loop3A_146 = arith.constant 64 : index
        %parallel_loop3A_147 = tpu.vector_load %arg11[%parallel_loop3A_145, %parallel_loop3A_146] {strides = array<i32>} : memref<112x96xbf16, #tpu.memory_space<vmem>>, vector<1x32xbf16>,
        %parallel_loop3A_148 = vector.shape_cast %parallel_loop3A_147 : vector<1x32xbf16> to vector<32xbf16>
        %parallel_loop3A_149 = arith.addf %parallel_loop3A_144, %parallel_loop3A_148 : vector<32xbf16>
        %parallel_loop3A_150 = arith.index_cast %parallel_loop3A_112 : i32 to index
        %parallel_loop3A_151 = arith.constant 64 : index
        %parallel_loop3A_152 = tpu.vector_load %arg13[%parallel_loop3A_150, %parallel_loop3A_151] {strides = array<i32>} : memref<112x96xbf16, #tpu.memory_space<vmem>>, vector<1x32xbf16>,
        %parallel_loop3A_153 = vector.shape_cast %parallel_loop3A_152 : vector<1x32xbf16> to vector<32xbf16>
        %parallel_loop3A_154 = vector.shape_cast %parallel_loop3A_149 : vector<32xbf16> to vector<1x32xbf16>
        tpu.vector_store %arg13[%parallel_loop3A_150, %parallel_loop3A_151], %parallel_loop3A_154 {strides = array<i32>} : memref<112x96xbf16, #tpu.memory_space<vmem>>, vector<1x32xbf16>,
      } {sc.loop_unroll_factor = 8 : i64, sc.parallel_access}
      %add3A_61 = arith.constant 2 : i32
      %add3A_62 = arith.addi %add3A_44, %add3A_61 : i32
      %lt3A = arith.constant 90 : i32
      %lt3A_63 = arith.cmpi slt, %add3A_62, %lt3A : i32
      %convert_element_type3A_64 = arith.extui %lt3A_63 : i1 to i32
      %cond3A_65 = arith.constant 0 : i32
      %cond3A_66 = arith.cmpi ne, %convert_element_type3A_64, %cond3A_65 : i32
      scf.if %cond3A_66 {
        %add3A_112 = arith.constant 2 : i32
        %add3A_113 = arith.addi %add3A_44, %add3A_112 : i32
        %mul3A_114 = arith.constant 112 : i32
        %mul3A_115 = arith.muli %add3A_113, %mul3A_114 : i32
        %dma_start3A_116 = tpu.memref_slice %arg7[%mul3A_115] : memref<10080xi32, #tpu.memory_space<vmem>> -> memref<112xi32, #tpu.memory_space<vmem>>
        %dma_start3A_117 = arith.constant 0 : i32
        %dma_start3A_118 = arith.constant 0 : i32
        %dma_start3A_119 = tpu.memref_slice %arg15[%dma_start3A_117, %dma_start3A_118] : memref<10016x96xbf16, #tpu.memory_space<vmem_shared>> -> memref<10016x96xbf16, #tpu.memory_space<vmem_shared>>
        tpu.enqueue_indirect_dma source(%dma_start3A_119 : memref<10016x96xbf16, #tpu.memory_space<vmem_shared>>) target(%arg9 : memref<112x96xbf16, #tpu.memory_space<vmem>>) offsets(%dma_start3A_116 : memref<112xi32, #tpu.memory_space<vmem>>) semaphore(%arg17 : memref<!tpu.dma_semaphore, #tpu.memory_space<semaphore_mem>>)
        %dma_start3A_120 = tpu.memref_slice %arg8[%mul3A_115] : memref<10080xi32, #tpu.memory_space<vmem>> -> memref<112xi32, #tpu.memory_space<vmem>>
        %dma_start3A_121 = arith.constant 0 : i32
        %dma_start3A_122 = arith.constant 0 : i32
        %dma_start3A_123 = tpu.memref_slice %arg16[%dma_start3A_121, %dma_start3A_122] : memref<10016x96xbf16, #tpu.memory_space<vmem_shared>> -> memref<10016x96xbf16, #tpu.memory_space<vmem_shared>>
        tpu.enqueue_indirect_dma source(%dma_start3A_123 : memref<10016x96xbf16, #tpu.memory_space<vmem_shared>>) target(%arg11 : memref<112x96xbf16, #tpu.memory_space<vmem>>) offsets(%dma_start3A_120 : memref<112xi32, #tpu.memory_space<vmem>>) semaphore(%arg19 : memref<!tpu.dma_semaphore, #tpu.memory_space<semaphore_mem>>)
      } else {
      }
      %mul3A_67 = arith.constant 112 : i32
      %mul3A_68 = arith.muli %add3A_44, %mul3A_67 : i32
      %add3A_69 = arith.addi %mul3A_2, %mul3A_68 : i32
      %dma_start3A_70 = arith.constant 0 : i32
      %dma_start3A_71 = tpu.memref_slice %arg6[%add3A_69, %dma_start3A_70] : memref<322560x96xbf16, #tpu.memory_space<hbm>> -> memref<112x96xbf16, #tpu.memory_space<hbm>>
      %dma_start3A_72 = arith.constant 0 : i32
      %dma_start3A_73 = tpu.memref_slice %arg6[%add3A_69, %dma_start3A_72] : memref<322560x96xbf16, #tpu.memory_space<hbm>> -> memref<112x96xbf16, #tpu.memory_space<hbm>>
      tpu.enqueue_dma source(%arg13 : memref<112x96xbf16, #tpu.memory_space<vmem>>) target(%dma_start3A_73 : memref<112x96xbf16, #tpu.memory_space<hbm>>) target_semaphore(%arg21 : memref<!tpu.dma_semaphore, #tpu.memory_space<semaphore_mem>>)
      %mul3A_74 = arith.constant 2 : i32
      %mul3A_75 = arith.muli %mul3A_74, %scan3A_40 : i32
      %add3A_76 = arith.constant 1 : i32
      %add3A_77 = arith.addi %mul3A_75, %add3A_76 : i32
      %dma_wait3A_78 = arith.constant 0 : i32
      %dma_wait3A_79 = arith.constant 0 : i32
      %dma_wait3A_80 = tpu.memref_slice %arg2[%dma_wait3A_78, %dma_wait3A_79] : memref<10000x96xbf16, #tpu.memory_space<hbm>> -> memref<112x96xbf16, #tpu.memory_space<hbm>>
      %dma_wait3A_81 = arith.constant 0 : i32
      %dma_wait3A_82 = arith.constant 0 : i32
      %dma_wait3A_83 = tpu.memref_slice %arg2[%dma_wait3A_81, %dma_wait3A_82] : memref<10000x96xbf16, #tpu.memory_space<hbm>> -> memref<112x96xbf16, #tpu.memory_space<hbm>>
      tpu.wait_dma2 semaphore(%arg18 : memref<!tpu.dma_semaphore, #tpu.memory_space<semaphore_mem>>) src(%dma_wait3A_83 : memref<112x96xbf16, #tpu.memory_space<hbm>>) dst(%arg10 : memref<112x96xbf16, #tpu.memory_space<vmem>>)
      %dma_wait3A_84 = arith.constant 0 : i32
      %dma_wait3A_85 = arith.constant 0 : i32
      %dma_wait3A_86 = tpu.memref_slice %arg2[%dma_wait3A_84, %dma_wait3A_85] : memref<10000x96xbf16, #tpu.memory_space<hbm>> -> memref<112x96xbf16, #tpu.memory_space<hbm>>
      %dma_wait3A_87 = arith.constant 0 : i32
      %dma_wait3A_88 = arith.constant 0 : i32
      %dma_wait3A_89 = tpu.memref_slice %arg2[%dma_wait3A_87, %dma_wait3A_88] : memref<10000x96xbf16, #tpu.memory_space<hbm>> -> memref<112x96xbf16, #tpu.memory_space<hbm>>
      tpu.wait_dma2 semaphore(%arg20 : memref<!tpu.dma_semaphore, #tpu.memory_space<semaphore_mem>>) src(%dma_wait3A_89 : memref<112x96xbf16, #tpu.memory_space<hbm>>) dst(%arg12 : memref<112x96xbf16, #tpu.memory_space<vmem>>)
      %gt3A_90 = arith.constant 0 : i32
      %gt3A_91 = arith.cmpi sgt, %scan3A_40, %gt3A_90 : i32
      %convert_element_type3A_92 = arith.extui %gt3A_91 : i1 to i32
      %cond3A_93 = arith.constant 0 : i32
      %cond3A_94 = arith.cmpi ne, %convert_element_type3A_92, %cond3A_93 : i32
      scf.if %cond3A_94 {
        %dma_wait3A_112 = arith.constant 0 : i32
        %dma_wait3A_113 = arith.constant 0 : i32
        %dma_wait3A_114 = tpu.memref_slice %arg6[%dma_wait3A_112, %dma_wait3A_113] : memref<322560x96xbf16, #tpu.memory_space<hbm>> -> memref<112x96xbf16, #tpu.memory_space<hbm>>
        %dma_wait3A_115 = arith.constant 0 : i32
        %dma_wait3A_116 = arith.constant 0 : i32
        %dma_wait3A_117 = tpu.memref_slice %arg6[%dma_wait3A_115, %dma_wait3A_116] : memref<322560x96xbf16, #tpu.memory_space<hbm>> -> memref<112x96xbf16, #tpu.memory_space<hbm>>
        tpu.wait_dma2 semaphore(%arg22 : memref<!tpu.dma_semaphore, #tpu.memory_space<semaphore_mem>>) src(%arg14 : memref<112x96xbf16, #tpu.memory_space<vmem>>) dst(%dma_wait3A_117 : memref<112x96xbf16, #tpu.memory_space<hbm>>)
      } else {
      }
      %parallel_loop3A_95 = arith.constant 0 : i32
      %parallel_loop3A_96 = arith.constant 112 : i32
      %parallel_loop3A_97 = arith.constant 1 : i32
      scf.for %parallel_loop3A_112 = %parallel_loop3A_95 to %parallel_loop3A_96 step %parallel_loop3A_97  : i32 {
        %parallel_loop3A_113 = arith.index_cast %parallel_loop3A_112 : i32 to index
        %parallel_loop3A_114 = arith.constant 0 : index
        %parallel_loop3A_115 = tpu.vector_load %arg10[%parallel_loop3A_113, %parallel_loop3A_114] {strides = array<i32>} : memref<112x96xbf16, #tpu.memory_space<vmem>>, vector<1x32xbf16>,
        %parallel_loop3A_116 = vector.shape_cast %parallel_loop3A_115 : vector<1x32xbf16> to vector<32xbf16>
        %parallel_loop3A_117 = arith.index_cast %parallel_loop3A_112 : i32 to index
        %parallel_loop3A_118 = arith.constant 0 : index
        %parallel_loop3A_119 = tpu.vector_load %arg12[%parallel_loop3A_117, %parallel_loop3A_118] {strides = array<i32>} : memref<112x96xbf16, #tpu.memory_space<vmem>>, vector<1x32xbf16>,
        %parallel_loop3A_120 = vector.shape_cast %parallel_loop3A_119 : vector<1x32xbf16> to vector<32xbf16>
        %parallel_loop3A_121 = arith.addf %parallel_loop3A_116, %parallel_loop3A_120 : vector<32xbf16>
        %parallel_loop3A_122 = arith.index_cast %parallel_loop3A_112 : i32 to index
        %parallel_loop3A_123 = arith.constant 0 : index
        %parallel_loop3A_124 = tpu.vector_load %arg14[%parallel_loop3A_122, %parallel_loop3A_123] {strides = array<i32>} : memref<112x96xbf16, #tpu.memory_space<vmem>>, vector<1x32xbf16>,
        %parallel_loop3A_125 = vector.shape_cast %parallel_loop3A_124 : vector<1x32xbf16> to vector<32xbf16>
        %parallel_loop3A_126 = vector.shape_cast %parallel_loop3A_121 : vector<32xbf16> to vector<1x32xbf16>
        tpu.vector_store %arg14[%parallel_loop3A_122, %parallel_loop3A_123], %parallel_loop3A_126 {strides = array<i32>} : memref<112x96xbf16, #tpu.memory_space<vmem>>, vector<1x32xbf16>,
        %parallel_loop3A_127 = arith.index_cast %parallel_loop3A_112 : i32 to index
        %parallel_loop3A_128 = arith.constant 32 : index
        %parallel_loop3A_129 = tpu.vector_load %arg10[%parallel_loop3A_127, %parallel_loop3A_128] {strides = array<i32>} : memref<112x96xbf16, #tpu.memory_space<vmem>>, vector<1x32xbf16>,
        %parallel_loop3A_130 = vector.shape_cast %parallel_loop3A_129 : vector<1x32xbf16> to vector<32xbf16>
        %parallel_loop3A_131 = arith.index_cast %parallel_loop3A_112 : i32 to index
        %parallel_loop3A_132 = arith.constant 32 : index
        %parallel_loop3A_133 = tpu.vector_load %arg12[%parallel_loop3A_131, %parallel_loop3A_132] {strides = array<i32>} : memref<112x96xbf16, #tpu.memory_space<vmem>>, vector<1x32xbf16>,
        %parallel_loop3A_134 = vector.shape_cast %parallel_loop3A_133 : vector<1x32xbf16> to vector<32xbf16>
        %parallel_loop3A_135 = arith.addf %parallel_loop3A_130, %parallel_loop3A_134 : vector<32xbf16>
        %parallel_loop3A_136 = arith.index_cast %parallel_loop3A_112 : i32 to index
        %parallel_loop3A_137 = arith.constant 32 : index
        %parallel_loop3A_138 = tpu.vector_load %arg14[%parallel_loop3A_136, %parallel_loop3A_137] {strides = array<i32>} : memref<112x96xbf16, #tpu.memory_space<vmem>>, vector<1x32xbf16>,
        %parallel_loop3A_139 = vector.shape_cast %parallel_loop3A_138 : vector<1x32xbf16> to vector<32xbf16>
        %parallel_loop3A_140 = vector.shape_cast %parallel_loop3A_135 : vector<32xbf16> to vector<1x32xbf16>
        tpu.vector_store %arg14[%parallel_loop3A_136, %parallel_loop3A_137], %parallel_loop3A_140 {strides = array<i32>} : memref<112x96xbf16, #tpu.memory_space<vmem>>, vector<1x32xbf16>,
        %parallel_loop3A_141 = arith.index_cast %parallel_loop3A_112 : i32 to index
        %parallel_loop3A_142 = arith.constant 64 : index
        %parallel_loop3A_143 = tpu.vector_load %arg10[%parallel_loop3A_141, %parallel_loop3A_142] {strides = array<i32>} : memref<112x96xbf16, #tpu.memory_space<vmem>>, vector<1x32xbf16>,
        %parallel_loop3A_144 = vector.shape_cast %parallel_loop3A_143 : vector<1x32xbf16> to vector<32xbf16>
        %parallel_loop3A_145 = arith.index_cast %parallel_loop3A_112 : i32 to index
        %parallel_loop3A_146 = arith.constant 64 : index
        %parallel_loop3A_147 = tpu.vector_load %arg12[%parallel_loop3A_145, %parallel_loop3A_146] {strides = array<i32>} : memref<112x96xbf16, #tpu.memory_space<vmem>>, vector<1x32xbf16>,
        %parallel_loop3A_148 = vector.shape_cast %parallel_loop3A_147 : vector<1x32xbf16> to vector<32xbf16>
        %parallel_loop3A_149 = arith.addf %parallel_loop3A_144, %parallel_loop3A_148 : vector<32xbf16>
        %parallel_loop3A_150 = arith.index_cast %parallel_loop3A_112 : i32 to index
        %parallel_loop3A_151 = arith.constant 64 : index
        %parallel_loop3A_152 = tpu.vector_load %arg14[%parallel_loop3A_150, %parallel_loop3A_151] {strides = array<i32>} : memref<112x96xbf16, #tpu.memory_space<vmem>>, vector<1x32xbf16>,
        %parallel_loop3A_153 = vector.shape_cast %parallel_loop3A_152 : vector<1x32xbf16> to vector<32xbf16>
        %parallel_loop3A_154 = vector.shape_cast %parallel_loop3A_149 : vector<32xbf16> to vector<1x32xbf16>
        tpu.vector_store %arg14[%parallel_loop3A_150, %parallel_loop3A_151], %parallel_loop3A_154 {strides = array<i32>} : memref<112x96xbf16, #tpu.memory_space<vmem>>, vector<1x32xbf16>,
      } {sc.loop_unroll_factor = 8 : i64, sc.parallel_access}
      %add3A_98 = arith.constant 2 : i32
      %add3A_99 = arith.addi %add3A_77, %add3A_98 : i32
      %lt3A_100 = arith.constant 90 : i32
      %lt3A_101 = arith.cmpi slt, %add3A_99, %lt3A_100 : i32
      %convert_element_type3A_102 = arith.extui %lt3A_101 : i1 to i32
      %cond3A_103 = arith.constant 0 : i32
      %cond3A_104 = arith.cmpi ne, %convert_element_type3A_102, %cond3A_103 : i32
      scf.if %cond3A_104 {
        %add3A_112 = arith.constant 2 : i32
        %add3A_113 = arith.addi %add3A_77, %add3A_112 : i32
        %mul3A_114 = arith.constant 112 : i32
        %mul3A_115 = arith.muli %add3A_113, %mul3A_114 : i32
        %dma_start3A_116 = tpu.memref_slice %arg7[%mul3A_115] : memref<10080xi32, #tpu.memory_space<vmem>> -> memref<112xi32, #tpu.memory_space<vmem>>
        %dma_start3A_117 = arith.constant 0 : i32
        %dma_start3A_118 = arith.constant 0 : i32
        %dma_start3A_119 = tpu.memref_slice %arg15[%dma_start3A_117, %dma_start3A_118] : memref<10016x96xbf16, #tpu.memory_space<vmem_shared>> -> memref<10016x96xbf16, #tpu.memory_space<vmem_shared>>
        tpu.enqueue_indirect_dma source(%dma_start3A_119 : memref<10016x96xbf16, #tpu.memory_space<vmem_shared>>) target(%arg10 : memref<112x96xbf16, #tpu.memory_space<vmem>>) offsets(%dma_start3A_116 : memref<112xi32, #tpu.memory_space<vmem>>) semaphore(%arg18 : memref<!tpu.dma_semaphore, #tpu.memory_space<semaphore_mem>>)
        %dma_start3A_120 = tpu.memref_slice %arg8[%mul3A_115] : memref<10080xi32, #tpu.memory_space<vmem>> -> memref<112xi32, #tpu.memory_space<vmem>>
        %dma_start3A_121 = arith.constant 0 : i32
        %dma_start3A_122 = arith.constant 0 : i32
        %dma_start3A_123 = tpu.memref_slice %arg16[%dma_start3A_121, %dma_start3A_122] : memref<10016x96xbf16, #tpu.memory_space<vmem_shared>> -> memref<10016x96xbf16, #tpu.memory_space<vmem_shared>>
        tpu.enqueue_indirect_dma source(%dma_start3A_123 : memref<10016x96xbf16, #tpu.memory_space<vmem_shared>>) target(%arg12 : memref<112x96xbf16, #tpu.memory_space<vmem>>) offsets(%dma_start3A_120 : memref<112xi32, #tpu.memory_space<vmem>>) semaphore(%arg20 : memref<!tpu.dma_semaphore, #tpu.memory_space<semaphore_mem>>)
      } else {
      }
      %mul3A_105 = arith.constant 112 : i32
      %mul3A_106 = arith.muli %add3A_77, %mul3A_105 : i32
      %add3A_107 = arith.addi %mul3A_2, %mul3A_106 : i32
      %dma_start3A_108 = arith.constant 0 : i32
      %dma_start3A_109 = tpu.memref_slice %arg6[%add3A_107, %dma_start3A_108] : memref<322560x96xbf16, #tpu.memory_space<hbm>> -> memref<112x96xbf16, #tpu.memory_space<hbm>>
      %dma_start3A_110 = arith.constant 0 : i32
      %dma_start3A_111 = tpu.memref_slice %arg6[%add3A_107, %dma_start3A_110] : memref<322560x96xbf16, #tpu.memory_space<hbm>> -> memref<112x96xbf16, #tpu.memory_space<hbm>>
      tpu.enqueue_dma source(%arg14 : memref<112x96xbf16, #tpu.memory_space<vmem>>) target(%dma_start3A_111 : memref<112x96xbf16, #tpu.memory_space<hbm>>) target_semaphore(%arg22 : memref<!tpu.dma_semaphore, #tpu.memory_space<semaphore_mem>>)
    }
    %scan3A_28 = arith.constant 45 : i32
    %dma_wait3A = arith.constant 0 : i32
    %dma_wait3A_29 = arith.constant 0 : i32
    %dma_wait3A_30 = tpu.memref_slice %arg6[%dma_wait3A, %dma_wait3A_29] : memref<322560x96xbf16, #tpu.memory_space<hbm>> -> memref<112x96xbf16, #tpu.memory_space<hbm>>
    %dma_wait3A_31 = arith.constant 0 : i32
    %dma_wait3A_32 = arith.constant 0 : i32
    %dma_wait3A_33 = tpu.memref_slice %arg6[%dma_wait3A_31, %dma_wait3A_32] : memref<322560x96xbf16, #tpu.memory_space<hbm>> -> memref<112x96xbf16, #tpu.memory_space<hbm>>
    tpu.wait_dma2 semaphore(%arg21 : memref<!tpu.dma_semaphore, #tpu.memory_space<semaphore_mem>>) src(%arg13 : memref<112x96xbf16, #tpu.memory_space<vmem>>) dst(%dma_wait3A_33 : memref<112x96xbf16, #tpu.memory_space<hbm>>)
    %dma_wait3A_34 = arith.constant 0 : i32
    %dma_wait3A_35 = arith.constant 0 : i32
    %dma_wait3A_36 = tpu.memref_slice %arg6[%dma_wait3A_34, %dma_wait3A_35] : memref<322560x96xbf16, #tpu.memory_space<hbm>> -> memref<112x96xbf16, #tpu.memory_space<hbm>>
    %dma_wait3A_37 = arith.constant 0 : i32
    %dma_wait3A_38 = arith.constant 0 : i32
    %dma_wait3A_39 = tpu.memref_slice %arg6[%dma_wait3A_37, %dma_wait3A_38] : memref<322560x96xbf16, #tpu.memory_space<hbm>> -> memref<112x96xbf16, #tpu.memory_space<hbm>>
    tpu.wait_dma2 semaphore(%arg22 : memref<!tpu.dma_semaphore, #tpu.memory_space<semaphore_mem>>) src(%arg14 : memref<112x96xbf16, #tpu.memory_space<vmem>>) dst(%dma_wait3A_39 : memref<112x96xbf16, #tpu.memory_space<hbm>>)
    return
  }
}

#map = affine_map<(d0, d1) -> (0, 0)>
#map1 = affine_map<(d0, d1) -> (0, 0, 0)>
module attributes {stable_mosaic.version = 14 : i64} {
  func.func @_k4_body(%arg0: i32, %arg1: i32, %arg2: memref<322560x80xf32, #tpu.memory_space<hbm>>, %arg3: memref<2880x112xi32, #tpu.memory_space<hbm>>, %arg4: memref<2x10016x80xf32, #tpu.memory_space<hbm>>, %arg5: memref<90x112xi32, #tpu.memory_space<vmem>>, %arg6: memref<112x80xf32, #tpu.memory_space<vmem>>, %arg7: memref<112x80xf32, #tpu.memory_space<vmem>>, %arg8: memref<626x80xf32, #tpu.memory_space<vmem>>, %arg9: memref<10016x80xf32, #tpu.memory_space<vmem_shared>>, %arg10: memref<!tpu.dma_semaphore, #tpu.memory_space<semaphore_mem>>, %arg11: memref<!tpu.dma_semaphore, #tpu.memory_space<semaphore_mem>>) attributes {dimension_semantics = [#tpu.dimension_semantics<core_parallel>, #tpu.dimension_semantics<subcore_parallel>], iteration_bounds = array<i64: 2, 16>, scalar_prefetch = 0 : i64, scratch_operands = 7 : i64, tpu.core_type = #tpu.core_type<sc_vector_subcore>, window_params = [{transform_indices = #map}, {transform_indices = #map}, {transform_indices = #map1}]} {
    %mul3A = arith.constant 16 : i32
    %mul3A_0 = arith.muli %arg0, %mul3A : i32
    %add3A = arith.addi %mul3A_0, %arg1 : i32
    %scan3A = arith.constant 0 : i32
    %scan3A_1 = arith.constant 0 : i32
    %scan3A_2 = arith.constant 626 : i32
    %scan3A_3 = arith.addi %scan3A_1, %scan3A_2 : i32
    %scan3A_4 = arith.constant 1 : i32
    scf.for %scan3A_34 = %scan3A_1 to %scan3A_3 step %scan3A_4  : i32 {
      %broadcast_in_dim3A = arith.constant 0.000000e+00 : f32
      %broadcast_in_dim3A_35 = vector.broadcast %broadcast_in_dim3A : f32 to vector<16xf32>
      %swap3A = arith.index_cast %scan3A_34 : i32 to index
      %swap3A_36 = arith.constant 0 : index
      %swap3A_37 = tpu.vector_load %arg8[%swap3A, %swap3A_36] {strides = array<i32>} : memref<626x80xf32, #tpu.memory_space<vmem>>, vector<1x16xf32>,
      %swap3A_38 = vector.shape_cast %swap3A_37 : vector<1x16xf32> to vector<16xf32>
      %swap3A_39 = vector.shape_cast %broadcast_in_dim3A_35 : vector<16xf32> to vector<1x16xf32>
      tpu.vector_store %arg8[%swap3A, %swap3A_36], %swap3A_39 {strides = array<i32>} : memref<626x80xf32, #tpu.memory_space<vmem>>, vector<1x16xf32>,
      %broadcast_in_dim3A_40 = arith.constant 0.000000e+00 : f32
      %broadcast_in_dim3A_41 = vector.broadcast %broadcast_in_dim3A_40 : f32 to vector<16xf32>
      %swap3A_42 = arith.index_cast %scan3A_34 : i32 to index
      %swap3A_43 = arith.constant 16 : index
      %swap3A_44 = tpu.vector_load %arg8[%swap3A_42, %swap3A_43] {strides = array<i32>} : memref<626x80xf32, #tpu.memory_space<vmem>>, vector<1x16xf32>,
      %swap3A_45 = vector.shape_cast %swap3A_44 : vector<1x16xf32> to vector<16xf32>
      %swap3A_46 = vector.shape_cast %broadcast_in_dim3A_41 : vector<16xf32> to vector<1x16xf32>
      tpu.vector_store %arg8[%swap3A_42, %swap3A_43], %swap3A_46 {strides = array<i32>} : memref<626x80xf32, #tpu.memory_space<vmem>>, vector<1x16xf32>,
      %broadcast_in_dim3A_47 = arith.constant 0.000000e+00 : f32
      %broadcast_in_dim3A_48 = vector.broadcast %broadcast_in_dim3A_47 : f32 to vector<16xf32>
      %swap3A_49 = arith.index_cast %scan3A_34 : i32 to index
      %swap3A_50 = arith.constant 32 : index
      %swap3A_51 = tpu.vector_load %arg8[%swap3A_49, %swap3A_50] {strides = array<i32>} : memref<626x80xf32, #tpu.memory_space<vmem>>, vector<1x16xf32>,
      %swap3A_52 = vector.shape_cast %swap3A_51 : vector<1x16xf32> to vector<16xf32>
      %swap3A_53 = vector.shape_cast %broadcast_in_dim3A_48 : vector<16xf32> to vector<1x16xf32>
      tpu.vector_store %arg8[%swap3A_49, %swap3A_50], %swap3A_53 {strides = array<i32>} : memref<626x80xf32, #tpu.memory_space<vmem>>, vector<1x16xf32>,
      %broadcast_in_dim3A_54 = arith.constant 0.000000e+00 : f32
      %broadcast_in_dim3A_55 = vector.broadcast %broadcast_in_dim3A_54 : f32 to vector<16xf32>
      %swap3A_56 = arith.index_cast %scan3A_34 : i32 to index
      %swap3A_57 = arith.constant 48 : index
      %swap3A_58 = tpu.vector_load %arg8[%swap3A_56, %swap3A_57] {strides = array<i32>} : memref<626x80xf32, #tpu.memory_space<vmem>>, vector<1x16xf32>,
      %swap3A_59 = vector.shape_cast %swap3A_58 : vector<1x16xf32> to vector<16xf32>
      %swap3A_60 = vector.shape_cast %broadcast_in_dim3A_55 : vector<16xf32> to vector<1x16xf32>
      tpu.vector_store %arg8[%swap3A_56, %swap3A_57], %swap3A_60 {strides = array<i32>} : memref<626x80xf32, #tpu.memory_space<vmem>>, vector<1x16xf32>,
      %broadcast_in_dim3A_61 = arith.constant 0.000000e+00 : f32
      %broadcast_in_dim3A_62 = vector.broadcast %broadcast_in_dim3A_61 : f32 to vector<16xf32>
      %swap3A_63 = arith.index_cast %scan3A_34 : i32 to index
      %swap3A_64 = arith.constant 64 : index
      %swap3A_65 = tpu.vector_load %arg8[%swap3A_63, %swap3A_64] {strides = array<i32>} : memref<626x80xf32, #tpu.memory_space<vmem>>, vector<1x16xf32>,
      %swap3A_66 = vector.shape_cast %swap3A_65 : vector<1x16xf32> to vector<16xf32>
      %swap3A_67 = vector.shape_cast %broadcast_in_dim3A_62 : vector<16xf32> to vector<1x16xf32>
      tpu.vector_store %arg8[%swap3A_63, %swap3A_64], %swap3A_67 {strides = array<i32>} : memref<626x80xf32, #tpu.memory_space<vmem>>, vector<1x16xf32>,
    }
    %scan3A_5 = arith.constant 626 : i32
    %mul3A_6 = arith.constant 626 : i32
    %mul3A_7 = arith.muli %arg1, %mul3A_6 : i32
    "tpu.region"() ({
      %run_scoped3A = tpu.sem_alloc : memref<!tpu.dma_semaphore, #tpu.memory_space<semaphore_mem>>
      %dma_start3A_34 = arith.constant 0 : i32
      %dma_start3A_35 = tpu.memref_slice %arg9[%mul3A_7, %dma_start3A_34] : memref<10016x80xf32, #tpu.memory_space<vmem_shared>> -> memref<626x80xf32, #tpu.memory_space<vmem_shared>>
      %dma_start3A_36 = arith.constant 0 : i32
      %dma_start3A_37 = tpu.memref_slice %arg9[%mul3A_7, %dma_start3A_36] : memref<10016x80xf32, #tpu.memory_space<vmem_shared>> -> memref<626x80xf32, #tpu.memory_space<vmem_shared>>
      tpu.enqueue_dma source(%arg8 : memref<626x80xf32, #tpu.memory_space<vmem>>) target(%dma_start3A_37 : memref<626x80xf32, #tpu.memory_space<vmem_shared>>) target_semaphore(%run_scoped3A : memref<!tpu.dma_semaphore, #tpu.memory_space<semaphore_mem>>)
      %dma_wait3A = arith.constant 0 : i32
      %dma_wait3A_38 = tpu.memref_slice %arg9[%mul3A_7, %dma_wait3A] : memref<10016x80xf32, #tpu.memory_space<vmem_shared>> -> memref<626x80xf32, #tpu.memory_space<vmem_shared>>
      %dma_wait3A_39 = arith.constant 0 : i32
      %dma_wait3A_40 = tpu.memref_slice %arg9[%mul3A_7, %dma_wait3A_39] : memref<10016x80xf32, #tpu.memory_space<vmem_shared>> -> memref<626x80xf32, #tpu.memory_space<vmem_shared>>
      tpu.wait_dma2 semaphore(%run_scoped3A : memref<!tpu.dma_semaphore, #tpu.memory_space<semaphore_mem>>) src(%arg8 : memref<626x80xf32, #tpu.memory_space<vmem>>) dst(%dma_wait3A_40 : memref<626x80xf32, #tpu.memory_space<vmem_shared>>)
      tpu.yield
    }) : () -> ()
    %barrier3A = arith.constant 0 : index
    tpu.barrier barrier_id(%barrier3A)
    %mul3A_8 = arith.constant 10080 : i32
    %mul3A_9 = arith.muli %add3A, %mul3A_8 : i32
    %mul3A_10 = arith.constant 90 : i32
    %mul3A_11 = arith.muli %add3A, %mul3A_10 : i32
    "tpu.region"() ({
      %run_scoped3A = tpu.sem_alloc : memref<!tpu.dma_semaphore, #tpu.memory_space<semaphore_mem>>
      %dma_start3A_34 = arith.constant 0 : i32
      %dma_start3A_35 = tpu.memref_slice %arg3[%mul3A_11, %dma_start3A_34] : memref<2880x112xi32, #tpu.memory_space<hbm>> -> memref<90x112xi32, #tpu.memory_space<hbm>>
      %dma_start3A_36 = arith.constant 0 : i32
      %dma_start3A_37 = tpu.memref_slice %arg3[%mul3A_11, %dma_start3A_36] : memref<2880x112xi32, #tpu.memory_space<hbm>> -> memref<90x112xi32, #tpu.memory_space<hbm>>
      tpu.enqueue_dma source(%dma_start3A_37 : memref<90x112xi32, #tpu.memory_space<hbm>>) target(%arg5 : memref<90x112xi32, #tpu.memory_space<vmem>>) target_semaphore(%run_scoped3A : memref<!tpu.dma_semaphore, #tpu.memory_space<semaphore_mem>>)
      %dma_wait3A = arith.constant 0 : i32
      %dma_wait3A_38 = tpu.memref_slice %arg3[%mul3A_11, %dma_wait3A] : memref<2880x112xi32, #tpu.memory_space<hbm>> -> memref<90x112xi32, #tpu.memory_space<hbm>>
      %dma_wait3A_39 = arith.constant 0 : i32
      %dma_wait3A_40 = tpu.memref_slice %arg3[%mul3A_11, %dma_wait3A_39] : memref<2880x112xi32, #tpu.memory_space<hbm>> -> memref<90x112xi32, #tpu.memory_space<hbm>>
      tpu.wait_dma2 semaphore(%run_scoped3A : memref<!tpu.dma_semaphore, #tpu.memory_space<semaphore_mem>>) src(%dma_wait3A_40 : memref<90x112xi32, #tpu.memory_space<hbm>>) dst(%arg5 : memref<90x112xi32, #tpu.memory_space<vmem>>)
      tpu.yield
    }) : () -> ()
    %add3A_12 = arith.constant 0 : i32
    %add3A_13 = arith.addi %mul3A_9, %add3A_12 : i32
    %dma_start3A = arith.constant 0 : i32
    %dma_start3A_14 = tpu.memref_slice %arg2[%add3A_13, %dma_start3A] : memref<322560x80xf32, #tpu.memory_space<hbm>> -> memref<112x80xf32, #tpu.memory_space<hbm>>
    %dma_start3A_15 = arith.constant 0 : i32
    %dma_start3A_16 = tpu.memref_slice %arg2[%add3A_13, %dma_start3A_15] : memref<322560x80xf32, #tpu.memory_space<hbm>> -> memref<112x80xf32, #tpu.memory_space<hbm>>
    tpu.enqueue_dma source(%dma_start3A_16 : memref<112x80xf32, #tpu.memory_space<hbm>>) target(%arg6 : memref<112x80xf32, #tpu.memory_space<vmem>>) target_semaphore(%arg10 : memref<!tpu.dma_semaphore, #tpu.memory_space<semaphore_mem>>)
    %add3A_17 = arith.constant 112 : i32
    %add3A_18 = arith.addi %mul3A_9, %add3A_17 : i32
    %dma_start3A_19 = arith.constant 0 : i32
    %dma_start3A_20 = tpu.memref_slice %arg2[%add3A_18, %dma_start3A_19] : memref<322560x80xf32, #tpu.memory_space<hbm>> -> memref<112x80xf32, #tpu.memory_space<hbm>>
    %dma_start3A_21 = arith.constant 0 : i32
    %dma_start3A_22 = tpu.memref_slice %arg2[%add3A_18, %dma_start3A_21] : memref<322560x80xf32, #tpu.memory_space<hbm>> -> memref<112x80xf32, #tpu.memory_space<hbm>>
    tpu.enqueue_dma source(%dma_start3A_22 : memref<112x80xf32, #tpu.memory_space<hbm>>) target(%arg7 : memref<112x80xf32, #tpu.memory_space<vmem>>) target_semaphore(%arg11 : memref<!tpu.dma_semaphore, #tpu.memory_space<semaphore_mem>>)
    %scan3A_23 = arith.constant 0 : i32
    %scan3A_24 = arith.constant 0 : i32
    %scan3A_25 = arith.constant 45 : i32
    %scan3A_26 = arith.addi %scan3A_24, %scan3A_25 : i32
    %scan3A_27 = arith.constant 1 : i32
    scf.for %scan3A_34 = %scan3A_24 to %scan3A_26 step %scan3A_27  : i32 {
      %mul3A_35 = arith.constant 2 : i32
      %mul3A_36 = arith.muli %mul3A_35, %scan3A_34 : i32
      %add3A_37 = arith.constant 0 : i32
      %add3A_38 = arith.addi %mul3A_36, %add3A_37 : i32
      %dma_wait3A = arith.constant 0 : i32
      %dma_wait3A_39 = arith.constant 0 : i32
      %dma_wait3A_40 = tpu.memref_slice %arg2[%dma_wait3A, %dma_wait3A_39] : memref<322560x80xf32, #tpu.memory_space<hbm>> -> memref<112x80xf32, #tpu.memory_space<hbm>>
      %dma_wait3A_41 = arith.constant 0 : i32
      %dma_wait3A_42 = arith.constant 0 : i32
      %dma_wait3A_43 = tpu.memref_slice %arg2[%dma_wait3A_41, %dma_wait3A_42] : memref<322560x80xf32, #tpu.memory_space<hbm>> -> memref<112x80xf32, #tpu.memory_space<hbm>>
      tpu.wait_dma2 semaphore(%arg10 : memref<!tpu.dma_semaphore, #tpu.memory_space<semaphore_mem>>) src(%dma_wait3A_43 : memref<112x80xf32, #tpu.memory_space<hbm>>) dst(%arg6 : memref<112x80xf32, #tpu.memory_space<vmem>>)
      "tpu.region"() ({
        %run_scoped3A = tpu.sem_alloc : memref<!tpu.dma_semaphore, #tpu.memory_space<semaphore_mem>>
        %dma_start3A_65 = arith.constant 0 : i32
        %dma_start3A_66 = tpu.memref_slice %arg5[%add3A_38, %dma_start3A_65] : memref<90x112xi32, #tpu.memory_space<vmem>> -> memref<1x112xi32, #tpu.memory_space<vmem>>
        %dma_start3A_67 = tpu.memref_squeeze %dma_start3A_66 : memref<1x112xi32, #tpu.memory_space<vmem>> -> memref<112xi32, #tpu.memory_space<vmem>>
        %dma_start3A_68 = arith.constant 0 : i32
        %dma_start3A_69 = arith.constant 0 : i32
        %dma_start3A_70 = tpu.memref_slice %arg9[%dma_start3A_68, %dma_start3A_69] : memref<10016x80xf32, #tpu.memory_space<vmem_shared>> -> memref<10016x80xf32, #tpu.memory_space<vmem_shared>>
        tpu.enqueue_indirect_dma source(%arg6 : memref<112x80xf32, #tpu.memory_space<vmem>>) target(%dma_start3A_70 : memref<10016x80xf32, #tpu.memory_space<vmem_shared>>) offsets(%dma_start3A_67 : memref<112xi32, #tpu.memory_space<vmem>>) semaphore(%run_scoped3A : memref<!tpu.dma_semaphore, #tpu.memory_space<semaphore_mem>>) {add = true}
        %dma_wait3A_71 = arith.constant 0 : i32
        %dma_wait3A_72 = tpu.memref_slice %arg5[%add3A_38, %dma_wait3A_71] : memref<90x112xi32, #tpu.memory_space<vmem>> -> memref<1x112xi32, #tpu.memory_space<vmem>>
        %dma_wait3A_73 = tpu.memref_squeeze %dma_wait3A_72 : memref<1x112xi32, #tpu.memory_space<vmem>> -> memref<112xi32, #tpu.memory_space<vmem>>
        %dma_wait3A_74 = arith.constant 0 : i32
        %dma_wait3A_75 = arith.constant 0 : i32
        %dma_wait3A_76 = tpu.memref_slice %arg9[%dma_wait3A_74, %dma_wait3A_75] : memref<10016x80xf32, #tpu.memory_space<vmem_shared>> -> memref<10016x80xf32, #tpu.memory_space<vmem_shared>>
        tpu.wait_indirect_dma semaphore(%run_scoped3A : memref<!tpu.dma_semaphore, #tpu.memory_space<semaphore_mem>>) src(%arg6 : memref<112x80xf32, #tpu.memory_space<vmem>>) dst(%dma_wait3A_76 : memref<10016x80xf32, #tpu.memory_space<vmem_shared>>)
        tpu.yield
      }) : () -> ()
      %add3A_44 = arith.constant 2 : i32
      %add3A_45 = arith.addi %add3A_38, %add3A_44 : i32
      %lt3A = arith.constant 90 : i32
      %lt3A_46 = arith.cmpi slt, %add3A_45, %lt3A : i32
      %convert_element_type3A = arith.extui %lt3A_46 : i1 to i32
      %cond3A = arith.constant 0 : i32
      %cond3A_47 = arith.cmpi ne, %convert_element_type3A, %cond3A : i32
      scf.if %cond3A_47 {
        %add3A_65 = arith.constant 2 : i32
        %add3A_66 = arith.addi %add3A_38, %add3A_65 : i32
        %mul3A_67 = arith.constant 112 : i32
        %mul3A_68 = arith.muli %add3A_66, %mul3A_67 : i32
        %add3A_69 = arith.addi %mul3A_9, %mul3A_68 : i32
        %dma_start3A_70 = arith.constant 0 : i32
        %dma_start3A_71 = tpu.memref_slice %arg2[%add3A_69, %dma_start3A_70] : memref<322560x80xf32, #tpu.memory_space<hbm>> -> memref<112x80xf32, #tpu.memory_space<hbm>>
        %dma_start3A_72 = arith.constant 0 : i32
        %dma_start3A_73 = tpu.memref_slice %arg2[%add3A_69, %dma_start3A_72] : memref<322560x80xf32, #tpu.memory_space<hbm>> -> memref<112x80xf32, #tpu.memory_space<hbm>>
        tpu.enqueue_dma source(%dma_start3A_73 : memref<112x80xf32, #tpu.memory_space<hbm>>) target(%arg6 : memref<112x80xf32, #tpu.memory_space<vmem>>) target_semaphore(%arg10 : memref<!tpu.dma_semaphore, #tpu.memory_space<semaphore_mem>>)
      } else {
      }
      %mul3A_48 = arith.constant 2 : i32
      %mul3A_49 = arith.muli %mul3A_48, %scan3A_34 : i32
      %add3A_50 = arith.constant 1 : i32
      %add3A_51 = arith.addi %mul3A_49, %add3A_50 : i32
      %dma_wait3A_52 = arith.constant 0 : i32
      %dma_wait3A_53 = arith.constant 0 : i32
      %dma_wait3A_54 = tpu.memref_slice %arg2[%dma_wait3A_52, %dma_wait3A_53] : memref<322560x80xf32, #tpu.memory_space<hbm>> -> memref<112x80xf32, #tpu.memory_space<hbm>>
      %dma_wait3A_55 = arith.constant 0 : i32
      %dma_wait3A_56 = arith.constant 0 : i32
      %dma_wait3A_57 = tpu.memref_slice %arg2[%dma_wait3A_55, %dma_wait3A_56] : memref<322560x80xf32, #tpu.memory_space<hbm>> -> memref<112x80xf32, #tpu.memory_space<hbm>>
      tpu.wait_dma2 semaphore(%arg11 : memref<!tpu.dma_semaphore, #tpu.memory_space<semaphore_mem>>) src(%dma_wait3A_57 : memref<112x80xf32, #tpu.memory_space<hbm>>) dst(%arg7 : memref<112x80xf32, #tpu.memory_space<vmem>>)
      "tpu.region"() ({
        %run_scoped3A = tpu.sem_alloc : memref<!tpu.dma_semaphore, #tpu.memory_space<semaphore_mem>>
        %dma_start3A_65 = arith.constant 0 : i32
        %dma_start3A_66 = tpu.memref_slice %arg5[%add3A_51, %dma_start3A_65] : memref<90x112xi32, #tpu.memory_space<vmem>> -> memref<1x112xi32, #tpu.memory_space<vmem>>
        %dma_start3A_67 = tpu.memref_squeeze %dma_start3A_66 : memref<1x112xi32, #tpu.memory_space<vmem>> -> memref<112xi32, #tpu.memory_space<vmem>>
        %dma_start3A_68 = arith.constant 0 : i32
        %dma_start3A_69 = arith.constant 0 : i32
        %dma_start3A_70 = tpu.memref_slice %arg9[%dma_start3A_68, %dma_start3A_69] : memref<10016x80xf32, #tpu.memory_space<vmem_shared>> -> memref<10016x80xf32, #tpu.memory_space<vmem_shared>>
        tpu.enqueue_indirect_dma source(%arg7 : memref<112x80xf32, #tpu.memory_space<vmem>>) target(%dma_start3A_70 : memref<10016x80xf32, #tpu.memory_space<vmem_shared>>) offsets(%dma_start3A_67 : memref<112xi32, #tpu.memory_space<vmem>>) semaphore(%run_scoped3A : memref<!tpu.dma_semaphore, #tpu.memory_space<semaphore_mem>>) {add = true}
        %dma_wait3A_71 = arith.constant 0 : i32
        %dma_wait3A_72 = tpu.memref_slice %arg5[%add3A_51, %dma_wait3A_71] : memref<90x112xi32, #tpu.memory_space<vmem>> -> memref<1x112xi32, #tpu.memory_space<vmem>>
        %dma_wait3A_73 = tpu.memref_squeeze %dma_wait3A_72 : memref<1x112xi32, #tpu.memory_space<vmem>> -> memref<112xi32, #tpu.memory_space<vmem>>
        %dma_wait3A_74 = arith.constant 0 : i32
        %dma_wait3A_75 = arith.constant 0 : i32
        %dma_wait3A_76 = tpu.memref_slice %arg9[%dma_wait3A_74, %dma_wait3A_75] : memref<10016x80xf32, #tpu.memory_space<vmem_shared>> -> memref<10016x80xf32, #tpu.memory_space<vmem_shared>>
        tpu.wait_indirect_dma semaphore(%run_scoped3A : memref<!tpu.dma_semaphore, #tpu.memory_space<semaphore_mem>>) src(%arg7 : memref<112x80xf32, #tpu.memory_space<vmem>>) dst(%dma_wait3A_76 : memref<10016x80xf32, #tpu.memory_space<vmem_shared>>)
        tpu.yield
      }) : () -> ()
      %add3A_58 = arith.constant 2 : i32
      %add3A_59 = arith.addi %add3A_51, %add3A_58 : i32
      %lt3A_60 = arith.constant 90 : i32
      %lt3A_61 = arith.cmpi slt, %add3A_59, %lt3A_60 : i32
      %convert_element_type3A_62 = arith.extui %lt3A_61 : i1 to i32
      %cond3A_63 = arith.constant 0 : i32
      %cond3A_64 = arith.cmpi ne, %convert_element_type3A_62, %cond3A_63 : i32
      scf.if %cond3A_64 {
        %add3A_65 = arith.constant 2 : i32
        %add3A_66 = arith.addi %add3A_51, %add3A_65 : i32
        %mul3A_67 = arith.constant 112 : i32
        %mul3A_68 = arith.muli %add3A_66, %mul3A_67 : i32
        %add3A_69 = arith.addi %mul3A_9, %mul3A_68 : i32
        %dma_start3A_70 = arith.constant 0 : i32
        %dma_start3A_71 = tpu.memref_slice %arg2[%add3A_69, %dma_start3A_70] : memref<322560x80xf32, #tpu.memory_space<hbm>> -> memref<112x80xf32, #tpu.memory_space<hbm>>
        %dma_start3A_72 = arith.constant 0 : i32
        %dma_start3A_73 = tpu.memref_slice %arg2[%add3A_69, %dma_start3A_72] : memref<322560x80xf32, #tpu.memory_space<hbm>> -> memref<112x80xf32, #tpu.memory_space<hbm>>
        tpu.enqueue_dma source(%dma_start3A_73 : memref<112x80xf32, #tpu.memory_space<hbm>>) target(%arg7 : memref<112x80xf32, #tpu.memory_space<vmem>>) target_semaphore(%arg11 : memref<!tpu.dma_semaphore, #tpu.memory_space<semaphore_mem>>)
      } else {
      }
    }
    %scan3A_28 = arith.constant 45 : i32
    %barrier3A_29 = arith.constant 0 : index
    tpu.barrier barrier_id(%barrier3A_29)
    %mul3A_30 = arith.constant 626 : i32
    %mul3A_31 = arith.muli %arg1, %mul3A_30 : i32
    "tpu.region"() ({
      %run_scoped3A = tpu.sem_alloc : memref<!tpu.dma_semaphore, #tpu.memory_space<semaphore_mem>>
      %dma_start3A_34 = arith.constant 0 : i32
      %dma_start3A_35 = tpu.memref_slice %arg9[%mul3A_31, %dma_start3A_34] : memref<10016x80xf32, #tpu.memory_space<vmem_shared>> -> memref<626x80xf32, #tpu.memory_space<vmem_shared>>
      %dma_start3A_36 = arith.constant 0 : i32
      %dma_start3A_37 = tpu.memref_slice %arg9[%mul3A_31, %dma_start3A_36] : memref<10016x80xf32, #tpu.memory_space<vmem_shared>> -> memref<626x80xf32, #tpu.memory_space<vmem_shared>>
      tpu.enqueue_dma source(%dma_start3A_37 : memref<626x80xf32, #tpu.memory_space<vmem_shared>>) target(%arg8 : memref<626x80xf32, #tpu.memory_space<vmem>>) target_semaphore(%run_scoped3A : memref<!tpu.dma_semaphore, #tpu.memory_space<semaphore_mem>>)
      %dma_wait3A = arith.constant 0 : i32
      %dma_wait3A_38 = tpu.memref_slice %arg9[%mul3A_31, %dma_wait3A] : memref<10016x80xf32, #tpu.memory_space<vmem_shared>> -> memref<626x80xf32, #tpu.memory_space<vmem_shared>>
      %dma_wait3A_39 = arith.constant 0 : i32
      %dma_wait3A_40 = tpu.memref_slice %arg9[%mul3A_31, %dma_wait3A_39] : memref<10016x80xf32, #tpu.memory_space<vmem_shared>> -> memref<626x80xf32, #tpu.memory_space<vmem_shared>>
      tpu.wait_dma2 semaphore(%run_scoped3A : memref<!tpu.dma_semaphore, #tpu.memory_space<semaphore_mem>>) src(%dma_wait3A_40 : memref<626x80xf32, #tpu.memory_space<vmem_shared>>) dst(%arg8 : memref<626x80xf32, #tpu.memory_space<vmem>>)
      tpu.yield
    }) : () -> ()
    %mul3A_32 = arith.constant 626 : i32
    %mul3A_33 = arith.muli %arg1, %mul3A_32 : i32
    "tpu.region"() ({
      %run_scoped3A = tpu.sem_alloc : memref<!tpu.dma_semaphore, #tpu.memory_space<semaphore_mem>>
      %dma_start3A_34 = arith.constant 0 : i32
      %dma_start3A_35 = tpu.memref_slice %arg4[%arg0, %mul3A_33, %dma_start3A_34] : memref<2x10016x80xf32, #tpu.memory_space<hbm>> -> memref<1x626x80xf32, #tpu.memory_space<hbm>>
      %dma_start3A_36 = tpu.memref_squeeze %dma_start3A_35 : memref<1x626x80xf32, #tpu.memory_space<hbm>> -> memref<626x80xf32, #tpu.memory_space<hbm>>
      %dma_start3A_37 = arith.constant 0 : i32
      %dma_start3A_38 = tpu.memref_slice %arg4[%arg0, %mul3A_33, %dma_start3A_37] : memref<2x10016x80xf32, #tpu.memory_space<hbm>> -> memref<1x626x80xf32, #tpu.memory_space<hbm>>
      %dma_start3A_39 = tpu.memref_squeeze %dma_start3A_38 : memref<1x626x80xf32, #tpu.memory_space<hbm>> -> memref<626x80xf32, #tpu.memory_space<hbm>>
      tpu.enqueue_dma source(%arg8 : memref<626x80xf32, #tpu.memory_space<vmem>>) target(%dma_start3A_39 : memref<626x80xf32, #tpu.memory_space<hbm>>) target_semaphore(%run_scoped3A : memref<!tpu.dma_semaphore, #tpu.memory_space<semaphore_mem>>)
      %dma_wait3A = arith.constant 0 : i32
      %dma_wait3A_40 = tpu.memref_slice %arg4[%arg0, %mul3A_33, %dma_wait3A] : memref<2x10016x80xf32, #tpu.memory_space<hbm>> -> memref<1x626x80xf32, #tpu.memory_space<hbm>>
      %dma_wait3A_41 = tpu.memref_squeeze %dma_wait3A_40 : memref<1x626x80xf32, #tpu.memory_space<hbm>> -> memref<626x80xf32, #tpu.memory_space<hbm>>
      %dma_wait3A_42 = arith.constant 0 : i32
      %dma_wait3A_43 = tpu.memref_slice %arg4[%arg0, %mul3A_33, %dma_wait3A_42] : memref<2x10016x80xf32, #tpu.memory_space<hbm>> -> memref<1x626x80xf32, #tpu.memory_space<hbm>>
      %dma_wait3A_44 = tpu.memref_squeeze %dma_wait3A_43 : memref<1x626x80xf32, #tpu.memory_space<hbm>> -> memref<626x80xf32, #tpu.memory_space<hbm>>
      tpu.wait_dma2 semaphore(%run_scoped3A : memref<!tpu.dma_semaphore, #tpu.memory_space<semaphore_mem>>) src(%arg8 : memref<626x80xf32, #tpu.memory_space<vmem>>) dst(%dma_wait3A_44 : memref<626x80xf32, #tpu.memory_space<hbm>>)
      tpu.yield
    }) : () -> ()
    return
  }
}

module attributes {stable_mosaic.version = 14 : i64} {
  func.func @_k1_body(%arg0: i32, %arg1: memref<1000x128xf32, #tpu.memory_space<vmem>>, %arg2: memref<1000x1xf32, #tpu.memory_space<vmem>>, %arg3: memref<128x128xf32, #tpu.memory_space<vmem>>, %arg4: memref<1x128xf32, #tpu.memory_space<vmem>>, %arg5: memref<1x128xf32, #tpu.memory_space<vmem>>, %arg6: memref<264x64xf32, #tpu.memory_space<vmem>>, %arg7: memref<1000x96xbf16, #tpu.memory_space<vmem>>, %arg8: memref<1000x96xbf16, #tpu.memory_space<vmem>>) attributes {dimension_semantics = [#tpu.dimension_semantics<arbitrary>], iteration_bounds = array<i64: 10>, scalar_prefetch = 0 : i64, scratch_operands = 0 : i64, tpu.core_type = #tpu.core_type<tc>, window_params = [{transform_indices = @transform_0, window_bounds = array<i64: 1000, 128>}, {transform_indices = @transform_1, window_bounds = array<i64: 1000, 1>}, {pipeline_mode = #tpu.pipeline_mode<synchronous>, transform_indices = @transform_2, window_bounds = array<i64: 128, 128>}, {pipeline_mode = #tpu.pipeline_mode<synchronous>, transform_indices = @transform_3, window_bounds = array<i64: 1, 128>}, {pipeline_mode = #tpu.pipeline_mode<synchronous>, transform_indices = @transform_4, window_bounds = array<i64: 1, 128>}, {pipeline_mode = #tpu.pipeline_mode<synchronous>, transform_indices = @transform_5, window_bounds = array<i64: 264, 64>}, {transform_indices = @transform_6, window_bounds = array<i64: 1000, 96>}, {transform_indices = @transform_7, window_bounds = array<i64: 1000, 96>}]} {
    %get3A = arith.constant 0 : index
    %get3A_0 = arith.constant 0 : index
    %get3A_1 = vector.load %arg1[%get3A, %get3A_0] : memref<1000x128xf32, #tpu.memory_space<vmem>>, vector<1000x128xf32>
    %get3A_2 = arith.constant 0 : index
    %get3A_3 = arith.constant 0 : index
    %get3A_4 = vector.load %arg2[%get3A_2, %get3A_3] : memref<1000x1xf32, #tpu.memory_space<vmem>>, vector<1000x1xf32>
    %get3A_5 = arith.constant 0 : index
    %get3A_6 = arith.constant 0 : index
    %get3A_7 = vector.load %arg3[%get3A_5, %get3A_6] : memref<128x128xf32, #tpu.memory_space<vmem>>, vector<128x128xf32>
    %get3A_8 = arith.constant 0 : index
    %get3A_9 = arith.constant 0 : index
    %get3A_10 = vector.load %arg6[%get3A_8, %get3A_9] : memref<264x64xf32, #tpu.memory_space<vmem>>, vector<264x64xf32>
    %get3A_11 = arith.constant 0 : index
    %get3A_12 = arith.constant 0 : index
    %get3A_13 = vector.load %arg4[%get3A_11, %get3A_12] : memref<1x128xf32, #tpu.memory_space<vmem>>, vector<1x128xf32>
    %dot_general3A = arith.constant dense<0.000000e+00> : vector<1x128xf32>
    %dot_general3A_14 = tpu.matmul %get3A_13, %get3A_7, %dot_general3A {dimension_numbers = #tpu.dot_dimension_numbers<[1], [0], [0], [1], [0, 0, 1, 1], [], []>, transpose_lhs_hint = false} : vector<1x128xf32>, vector<128x128xf32>, vector<1x128xf32> -> vector<1x128xf32>
    %get3A_15 = arith.constant 0 : index
    %get3A_16 = arith.constant 0 : index
    %get3A_17 = vector.load %arg5[%get3A_15, %get3A_16] : memref<1x128xf32, #tpu.memory_space<vmem>>, vector<1x128xf32>
    %dot_general3A_18 = arith.constant dense<0.000000e+00> : vector<1x128xf32>
    %dot_general3A_19 = tpu.matmul %get3A_17, %get3A_7, %dot_general3A_18 {dimension_numbers = #tpu.dot_dimension_numbers<[1], [0], [0], [1], [0, 0, 1, 1], [], []>, transpose_lhs_hint = false} : vector<1x128xf32>, vector<128x128xf32>, vector<1x128xf32> -> vector<1x128xf32>
    %dot_general3A_20 = arith.constant dense<0.000000e+00> : vector<1000x1xf32>
    %dot_general3A_21 = tpu.matmul %get3A_1, %dot_general3A_14, %dot_general3A_20 {dimension_numbers = #tpu.dot_dimension_numbers<[1], [1], [0], [0], [0, 0, 1, 0], [], []>, transpose_lhs_hint = false} : vector<1000x128xf32>, vector<1x128xf32>, vector<1000x1xf32> -> vector<1000x1xf32>
    %dot_general3A_22 = arith.constant dense<0.000000e+00> : vector<1000x1xf32>
    %dot_general3A_23 = tpu.matmul %get3A_1, %dot_general3A_19, %dot_general3A_22 {dimension_numbers = #tpu.dot_dimension_numbers<[1], [1], [0], [0], [0, 0, 1, 0], [], []>, transpose_lhs_hint = false} : vector<1000x128xf32>, vector<1x128xf32>, vector<1000x1xf32> -> vector<1000x1xf32>
    %slice3A = vector.extract_strided_slice %get3A_10 {offsets = [0, 0], sizes = [128, 64], strides = [1, 1]} : vector<264x64xf32> to vector<128x64xf32>
    %dot_general3A_24 = arith.constant dense<0.000000e+00> : vector<1000x64xf32>
    %dot_general3A_25 = tpu.matmul %get3A_1, %slice3A, %dot_general3A_24 {dimension_numbers = #tpu.dot_dimension_numbers<[1], [0], [0], [1], [0, 0, 1, 1], [], []>, transpose_lhs_hint = false} : vector<1000x128xf32>, vector<128x64xf32>, vector<1000x64xf32> -> vector<1000x64xf32>
    %slice3A_26 = vector.extract_strided_slice %get3A_10 {offsets = [128, 0], sizes = [1, 64], strides = [1, 1]} : vector<264x64xf32> to vector<1x64xf32>
    %slice3A_27 = vector.extract_strided_slice %get3A_10 {offsets = [129, 0], sizes = [1, 64], strides = [1, 1]} : vector<264x64xf32> to vector<1x64xf32>
    %sub3A = arith.subf %slice3A_26, %slice3A_27 : vector<1x64xf32>
    %mul3A = vector.broadcast %get3A_4 : vector<1000x1xf32> to vector<1000x64xf32>
    %mul3A_28 = vector.broadcast %sub3A : vector<1x64xf32> to vector<1000x64xf32>
    %mul3A_29 = arith.mulf %mul3A, %mul3A_28 : vector<1000x64xf32>
    %add3A = arith.addf %dot_general3A_25, %mul3A_29 : vector<1000x64xf32>
    %slice3A_30 = vector.extract_strided_slice %get3A_10 {offsets = [132, 0], sizes = [128, 64], strides = [1, 1]} : vector<264x64xf32> to vector<128x64xf32>
    %dot_general3A_31 = arith.constant dense<0.000000e+00> : vector<1000x64xf32>
    %dot_general3A_32 = tpu.matmul %get3A_1, %slice3A_30, %dot_general3A_31 {dimension_numbers = #tpu.dot_dimension_numbers<[1], [0], [0], [1], [0, 0, 1, 1], [], []>, transpose_lhs_hint = false} : vector<1000x128xf32>, vector<128x64xf32>, vector<1000x64xf32> -> vector<1000x64xf32>
    %slice3A_33 = vector.extract_strided_slice %get3A_10 {offsets = [261, 0], sizes = [1, 64], strides = [1, 1]} : vector<264x64xf32> to vector<1x64xf32>
    %slice3A_34 = vector.extract_strided_slice %get3A_10 {offsets = [260, 0], sizes = [1, 64], strides = [1, 1]} : vector<264x64xf32> to vector<1x64xf32>
    %sub3A_35 = arith.subf %slice3A_33, %slice3A_34 : vector<1x64xf32>
    %mul3A_36 = vector.broadcast %get3A_4 : vector<1000x1xf32> to vector<1000x64xf32>
    %mul3A_37 = vector.broadcast %sub3A_35 : vector<1x64xf32> to vector<1000x64xf32>
    %mul3A_38 = arith.mulf %mul3A_36, %mul3A_37 : vector<1000x64xf32>
    %add3A_39 = arith.addf %dot_general3A_32, %mul3A_38 : vector<1000x64xf32>
    %broadcast_in_dim3A = arith.constant 0.000000e+00 : bf16
    %broadcast_in_dim3A_40 = vector.broadcast %broadcast_in_dim3A : bf16 to vector<1000x31xbf16>
    %convert_element_type3A = arith.truncf %add3A : vector<1000x64xf32> to vector<1000x64xbf16>
    %convert_element_type3A_41 = arith.truncf %dot_general3A_21 : vector<1000x1xf32> to vector<1000x1xbf16>
    %concatenate3A = tpu.concatenate %convert_element_type3A, %convert_element_type3A_41, %broadcast_in_dim3A_40 in 1 : vector<1000x64xbf16>, vector<1000x1xbf16>, vector<1000x31xbf16> -> vector<1000x96xbf16>
    %swap3A = arith.constant 0 : index
    %swap3A_42 = arith.constant 0 : index
    %swap3A_43 = vector.load %arg7[%swap3A, %swap3A_42] : memref<1000x96xbf16, #tpu.memory_space<vmem>>, vector<1000x96xbf16>
    tpu.vector_store %arg7[%swap3A, %swap3A_42], %concatenate3A {strides = array<i32>} : memref<1000x96xbf16, #tpu.memory_space<vmem>>, vector<1000x96xbf16>,
    %convert_element_type3A_44 = arith.truncf %add3A_39 : vector<1000x64xf32> to vector<1000x64xbf16>
    %convert_element_type3A_45 = arith.truncf %dot_general3A_23 : vector<1000x1xf32> to vector<1000x1xbf16>
    %concatenate3A_46 = tpu.concatenate %convert_element_type3A_44, %convert_element_type3A_45, %broadcast_in_dim3A_40 in 1 : vector<1000x64xbf16>, vector<1000x1xbf16>, vector<1000x31xbf16> -> vector<1000x96xbf16>
    %swap3A_47 = arith.constant 0 : index
    %swap3A_48 = arith.constant 0 : index
    %swap3A_49 = vector.load %arg8[%swap3A_47, %swap3A_48] : memref<1000x96xbf16, #tpu.memory_space<vmem>>, vector<1000x96xbf16>
    tpu.vector_store %arg8[%swap3A_47, %swap3A_48], %concatenate3A_46 {strides = array<i32>} : memref<1000x96xbf16, #tpu.memory_space<vmem>>, vector<1000x96xbf16>,
    return
  }
  func.func @transform_0(%arg0: i32) -> (i32, i32) {
    %c0_i32 = arith.constant 0 : i32
    %c0_i32_0 = arith.constant 0 : i32
    return %arg0, %c0_i32 : i32, i32
  }
  func.func @transform_1(%arg0: i32) -> (i32, i32) {
    %c0_i32 = arith.constant 0 : i32
    %c0_i32_0 = arith.constant 0 : i32
    return %arg0, %c0_i32 : i32, i32
  }
  func.func @transform_2(%arg0: i32) -> (i32, i32) {
    %c0_i32 = arith.constant 0 : i32
    %c0_i32_0 = arith.constant 0 : i32
    %c0_i32_1 = arith.constant 0 : i32
    return %c0_i32, %c0_i32_0 : i32, i32
  }
  func.func @transform_3(%arg0: i32) -> (i32, i32) {
    %c0_i32 = arith.constant 0 : i32
    %c0_i32_0 = arith.constant 0 : i32
    %c0_i32_1 = arith.constant 0 : i32
    return %c0_i32, %c0_i32_0 : i32, i32
  }
  func.func @transform_4(%arg0: i32) -> (i32, i32) {
    %c0_i32 = arith.constant 0 : i32
    %c0_i32_0 = arith.constant 0 : i32
    %c0_i32_1 = arith.constant 0 : i32
    return %c0_i32, %c0_i32_0 : i32, i32
  }
  func.func @transform_5(%arg0: i32) -> (i32, i32) {
    %c0_i32 = arith.constant 0 : i32
    %c0_i32_0 = arith.constant 0 : i32
    %c0_i32_1 = arith.constant 0 : i32
    return %c0_i32, %c0_i32_0 : i32, i32
  }
  func.func @transform_6(%arg0: i32) -> (i32, i32) {
    %c0_i32 = arith.constant 0 : i32
    %c0_i32_0 = arith.constant 0 : i32
    return %arg0, %c0_i32 : i32, i32
  }
  func.func @transform_7(%arg0: i32) -> (i32, i32) {
    %c0_i32 = arith.constant 0 : i32
    %c0_i32_0 = arith.constant 0 : i32
    return %arg0, %c0_i32 : i32, i32
  }
}

module attributes {stable_mosaic.version = 14 : i64} {
  func.func @_k3_body(%arg0: i32, %arg1: memref<1024x96xbf16, #tpu.memory_space<vmem>>, %arg2: memref<1024x1xf32, #tpu.memory_space<vmem>>, %arg3: memref<264x64xf32, #tpu.memory_space<vmem>>, %arg4: memref<1x64xf32, #tpu.memory_space<vmem>>, %arg5: memref<64x64xf32, #tpu.memory_space<vmem>>, %arg6: memref<1x64xf32, #tpu.memory_space<vmem>>, %arg7: memref<1024x80xf32, #tpu.memory_space<vmem>>) attributes {dimension_semantics = [#tpu.dimension_semantics<arbitrary>], iteration_bounds = array<i64: 315>, scalar_prefetch = 0 : i64, scratch_operands = 0 : i64, tpu.core_type = #tpu.core_type<tc>, window_params = [{transform_indices = @transform_0, window_bounds = array<i64: 1024, 96>}, {transform_indices = @transform_1, window_bounds = array<i64: 1024, 1>}, {pipeline_mode = #tpu.pipeline_mode<synchronous>, transform_indices = @transform_2, window_bounds = array<i64: 264, 64>}, {pipeline_mode = #tpu.pipeline_mode<synchronous>, transform_indices = @transform_3, window_bounds = array<i64: 1, 64>}, {pipeline_mode = #tpu.pipeline_mode<synchronous>, transform_indices = @transform_4, window_bounds = array<i64: 64, 64>}, {pipeline_mode = #tpu.pipeline_mode<synchronous>, transform_indices = @transform_5, window_bounds = array<i64: 1, 64>}, {transform_indices = @transform_6, window_bounds = array<i64: 1024, 80>}]} {
    %get3A = arith.constant 0 : index
    %get3A_0 = arith.constant 0 : index
    %get3A_1 = vector.load %arg1[%get3A, %get3A_0] : memref<1024x96xbf16, #tpu.memory_space<vmem>>, vector<1024x96xbf16>
    %convert_element_type3A = arith.extf %get3A_1 : vector<1024x96xbf16> to vector<1024x96xf32>
    %get3A_2 = arith.constant 0 : index
    %get3A_3 = arith.constant 0 : index
    %get3A_4 = vector.load %arg3[%get3A_2, %get3A_3] : memref<264x64xf32, #tpu.memory_space<vmem>>, vector<264x64xf32>
    %slice3A = vector.extract_strided_slice %get3A_4 {offsets = [130, 0], sizes = [1, 64], strides = [1, 1]} : vector<264x64xf32> to vector<1x64xf32>
    %slice3A_5 = vector.extract_strided_slice %get3A_4 {offsets = [131, 0], sizes = [1, 64], strides = [1, 1]} : vector<264x64xf32> to vector<1x64xf32>
    %sub3A = arith.subf %slice3A, %slice3A_5 : vector<1x64xf32>
    %slice3A_6 = vector.extract_strided_slice %get3A_4 {offsets = [263, 0], sizes = [1, 64], strides = [1, 1]} : vector<264x64xf32> to vector<1x64xf32>
    %add3A = arith.addf %sub3A, %slice3A_6 : vector<1x64xf32>
    %slice3A_7 = vector.extract_strided_slice %get3A_4 {offsets = [262, 0], sizes = [1, 64], strides = [1, 1]} : vector<264x64xf32> to vector<1x64xf32>
    %sub3A_8 = arith.subf %add3A, %slice3A_7 : vector<1x64xf32>
    %slice3A_9 = vector.extract_strided_slice %convert_element_type3A {offsets = [0, 0], sizes = [1024, 64], strides = [1, 1]} : vector<1024x96xf32> to vector<1024x64xf32>
    %get3A_10 = arith.constant 0 : index
    %get3A_11 = arith.constant 0 : index
    %get3A_12 = vector.load %arg2[%get3A_10, %get3A_11] : memref<1024x1xf32, #tpu.memory_space<vmem>>, vector<1024x1xf32>
    %mul3A = vector.broadcast %get3A_12 : vector<1024x1xf32> to vector<1024x64xf32>
    %mul3A_13 = vector.broadcast %sub3A_8 : vector<1x64xf32> to vector<1024x64xf32>
    %mul3A_14 = arith.mulf %mul3A, %mul3A_13 : vector<1024x64xf32>
    %add3A_15 = arith.addf %slice3A_9, %mul3A_14 : vector<1024x64xf32>
    %get3A_16 = arith.constant 0 : index
    %get3A_17 = arith.constant 0 : index
    %get3A_18 = vector.load %arg4[%get3A_16, %get3A_17] : memref<1x64xf32, #tpu.memory_space<vmem>>, vector<1x64xf32>
    %add3A_19 = vector.broadcast %get3A_18 : vector<1x64xf32> to vector<1024x64xf32>
    %add3A_20 = arith.addf %add3A_15, %add3A_19 : vector<1024x64xf32>
    %max3A = arith.constant 0.000000e+00 : f32
    %max3A_21 = vector.broadcast %max3A : f32 to vector<1024x64xf32>
    %max3A_22 = arith.maximumf %add3A_20, %max3A_21 : vector<1024x64xf32>
    %slice3A_23 = vector.extract_strided_slice %convert_element_type3A {offsets = [0, 64], sizes = [1024, 1], strides = [1, 1]} : vector<1024x96xf32> to vector<1024x1xf32>
    %gt3A = arith.constant 0.000000e+00 : f32
    %gt3A_24 = vector.broadcast %gt3A : f32 to vector<1024x1xf32>
    %gt3A_25 = arith.cmpf ogt, %slice3A_23, %gt3A_24 : vector<1024x1xf32>
    %mul3A_26 = arith.constant 2.000000e-01 : f32
    %mul3A_27 = vector.broadcast %mul3A_26 : f32 to vector<1024x1xf32>
    %mul3A_28 = arith.mulf %mul3A_27, %slice3A_23 : vector<1024x1xf32>
    %select_n3A = arith.select %gt3A_25, %slice3A_23, %mul3A_28 : vector<1024x1xi1>, vector<1024x1xf32>
    %exp3A = math.exp %select_n3A : vector<1024x1xf32>
    %mul3A_29 = vector.broadcast %exp3A : vector<1024x1xf32> to vector<1024x64xf32>
    %mul3A_30 = arith.mulf %mul3A_29, %max3A_22 : vector<1024x64xf32>
    %convert_element_type3A_31 = arith.truncf %mul3A_30 : vector<1024x64xf32> to vector<1024x64xbf16>
    %get3A_32 = arith.constant 0 : index
    %get3A_33 = arith.constant 0 : index
    %get3A_34 = vector.load %arg5[%get3A_32, %get3A_33] : memref<64x64xf32, #tpu.memory_space<vmem>>, vector<64x64xf32>
    %convert_element_type3A_35 = arith.truncf %get3A_34 : vector<64x64xf32> to vector<64x64xbf16>
    %dot_general3A = arith.constant dense<0.000000e+00> : vector<1024x64xf32>
    %dot_general3A_36 = tpu.matmul %convert_element_type3A_31, %convert_element_type3A_35, %dot_general3A {dimension_numbers = #tpu.dot_dimension_numbers<[1], [1], [0], [0], [0, 0, 1, 0], [], []>, transpose_lhs_hint = false} : vector<1024x64xbf16>, vector<64x64xbf16>, vector<1024x64xf32> -> vector<1024x64xf32>
    %get3A_37 = arith.constant 0 : index
    %get3A_38 = arith.constant 0 : index
    %get3A_39 = vector.load %arg6[%get3A_37, %get3A_38] : memref<1x64xf32, #tpu.memory_space<vmem>>, vector<1x64xf32>
    %mul3A_40 = vector.broadcast %exp3A : vector<1024x1xf32> to vector<1024x64xf32>
    %mul3A_41 = vector.broadcast %get3A_39 : vector<1x64xf32> to vector<1024x64xf32>
    %mul3A_42 = arith.mulf %mul3A_40, %mul3A_41 : vector<1024x64xf32>
    %add3A_43 = arith.addf %dot_general3A_36, %mul3A_42 : vector<1024x64xf32>
    %max3A_44 = arith.constant 0.000000e+00 : f32
    %max3A_45 = vector.broadcast %max3A_44 : f32 to vector<1024x64xf32>
    %max3A_46 = arith.maximumf %add3A_43, %max3A_45 : vector<1024x64xf32>
    %broadcast_in_dim3A = arith.constant 0.000000e+00 : f32
    %broadcast_in_dim3A_47 = vector.broadcast %broadcast_in_dim3A : f32 to vector<1024x15xf32>
    %concatenate3A = tpu.concatenate %max3A_46, %exp3A, %broadcast_in_dim3A_47 in 1 : vector<1024x64xf32>, vector<1024x1xf32>, vector<1024x15xf32> -> vector<1024x80xf32>
    %swap3A = arith.constant 0 : index
    %swap3A_48 = arith.constant 0 : index
    %swap3A_49 = vector.load %arg7[%swap3A, %swap3A_48] : memref<1024x80xf32, #tpu.memory_space<vmem>>, vector<1024x80xf32>
    tpu.vector_store %arg7[%swap3A, %swap3A_48], %concatenate3A {strides = array<i32>} : memref<1024x80xf32, #tpu.memory_space<vmem>>, vector<1024x80xf32>,
    return
  }
  func.func @transform_0(%arg0: i32) -> (i32, i32) {
    %c0_i32 = arith.constant 0 : i32
    %c0_i32_0 = arith.constant 0 : i32
    return %arg0, %c0_i32 : i32, i32
  }
  func.func @transform_1(%arg0: i32) -> (i32, i32) {
    %c0_i32 = arith.constant 0 : i32
    %c0_i32_0 = arith.constant 0 : i32
    return %arg0, %c0_i32 : i32, i32
  }
  func.func @transform_2(%arg0: i32) -> (i32, i32) {
    %c0_i32 = arith.constant 0 : i32
    %c0_i32_0 = arith.constant 0 : i32
    %c0_i32_1 = arith.constant 0 : i32
    return %c0_i32, %c0_i32_0 : i32, i32
  }
  func.func @transform_3(%arg0: i32) -> (i32, i32) {
    %c0_i32 = arith.constant 0 : i32
    %c0_i32_0 = arith.constant 0 : i32
    %c0_i32_1 = arith.constant 0 : i32
    return %c0_i32, %c0_i32_0 : i32, i32
  }
  func.func @transform_4(%arg0: i32) -> (i32, i32) {
    %c0_i32 = arith.constant 0 : i32
    %c0_i32_0 = arith.constant 0 : i32
    %c0_i32_1 = arith.constant 0 : i32
    return %c0_i32, %c0_i32_0 : i32, i32
  }
  func.func @transform_5(%arg0: i32) -> (i32, i32) {
    %c0_i32 = arith.constant 0 : i32
    %c0_i32_0 = arith.constant 0 : i32
    %c0_i32_1 = arith.constant 0 : i32
    return %c0_i32, %c0_i32_0 : i32, i32
  }
  func.func @transform_6(%arg0: i32) -> (i32, i32) {
    %c0_i32 = arith.constant 0 : i32
    %c0_i32_0 = arith.constant 0 : i32
    return %arg0, %c0_i32 : i32, i32
  }
}

module attributes {stable_mosaic.version = 14 : i64} {
  func.func @_k5_body(%arg0: i32, %arg1: memref<2x1000x80xf32, #tpu.memory_space<vmem>>, %arg2: memref<1000x128xf32, #tpu.memory_space<vmem>>, %arg3: memref<128x64xf32, #tpu.memory_space<vmem>>, %arg4: memref<1x128xf32, #tpu.memory_space<vmem>>, %arg5: memref<384x128xf32, #tpu.memory_space<vmem>>, %arg6: memref<1x384xf32, #tpu.memory_space<vmem>>, %arg7: memref<384x128xf32, #tpu.memory_space<vmem>>, %arg8: memref<1x384xf32, #tpu.memory_space<vmem>>, %arg9: memref<1x128xf32, #tpu.memory_space<vmem>>, %arg10: memref<1000x128xf32, #tpu.memory_space<vmem>>) attributes {dimension_semantics = [#tpu.dimension_semantics<arbitrary>], iteration_bounds = array<i64: 10>, scalar_prefetch = 0 : i64, scratch_operands = 0 : i64, tpu.core_type = #tpu.core_type<tc>, window_params = [{transform_indices = @transform_0, window_bounds = array<i64: 2, 1000, 80>}, {transform_indices = @transform_1, window_bounds = array<i64: 1000, 128>}, {pipeline_mode = #tpu.pipeline_mode<synchronous>, transform_indices = @transform_2, window_bounds = array<i64: 128, 64>}, {pipeline_mode = #tpu.pipeline_mode<synchronous>, transform_indices = @transform_3, window_bounds = array<i64: 1, 128>}, {pipeline_mode = #tpu.pipeline_mode<synchronous>, transform_indices = @transform_4, window_bounds = array<i64: 384, 128>}, {pipeline_mode = #tpu.pipeline_mode<synchronous>, transform_indices = @transform_5, window_bounds = array<i64: 1, 384>}, {pipeline_mode = #tpu.pipeline_mode<synchronous>, transform_indices = @transform_6, window_bounds = array<i64: 384, 128>}, {pipeline_mode = #tpu.pipeline_mode<synchronous>, transform_indices = @transform_7, window_bounds = array<i64: 1, 384>}, {pipeline_mode = #tpu.pipeline_mode<synchronous>, transform_indices = @transform_8, window_bounds = array<i64: 1, 128>}, {transform_indices = @transform_9, window_bounds = array<i64: 1000, 128>}]} {
    %get3A = arith.constant 0 : index
    %get3A_0 = arith.constant 0 : index
    %get3A_1 = arith.constant 0 : index
    %get3A_2 = vector.load %arg1[%get3A, %get3A_0, %get3A_1] : memref<2x1000x80xf32, #tpu.memory_space<vmem>>, vector<1x1000x80xf32>
    %get3A_3 = vector.shape_cast %get3A_2 : vector<1x1000x80xf32> to vector<1000x80xf32>
    %get3A_4 = arith.constant 1 : index
    %get3A_5 = arith.constant 0 : index
    %get3A_6 = arith.constant 0 : index
    %get3A_7 = vector.load %arg1[%get3A_4, %get3A_5, %get3A_6] : memref<2x1000x80xf32, #tpu.memory_space<vmem>>, vector<1x1000x80xf32>
    %get3A_8 = vector.shape_cast %get3A_7 : vector<1x1000x80xf32> to vector<1000x80xf32>
    %add3A = arith.addf %get3A_3, %get3A_8 : vector<1000x80xf32>
    %get3A_9 = arith.constant 0 : index
    %get3A_10 = arith.constant 0 : index
    %get3A_11 = vector.load %arg2[%get3A_9, %get3A_10] : memref<1000x128xf32, #tpu.memory_space<vmem>>, vector<1000x128xf32>
    %slice3A = vector.extract_strided_slice %add3A {offsets = [0, 64], sizes = [1000, 1], strides = [1, 1]} : vector<1000x80xf32> to vector<1000x1xf32>
    %add3A_12 = arith.constant 1.000000e-16 : f32
    %add3A_13 = vector.broadcast %add3A_12 : f32 to vector<1000x1xf32>
    %add3A_14 = arith.addf %slice3A, %add3A_13 : vector<1000x1xf32>
    %div3A = arith.constant 1.000000e+00 : f32
    %div3A_15 = vector.broadcast %div3A : f32 to vector<1000x1xf32>
    %div3A_16 = arith.divf %div3A_15, %add3A_14 : vector<1000x1xf32>
    %mul3A = arith.mulf %slice3A, %div3A_16 : vector<1000x1xf32>
    %slice3A_17 = vector.extract_strided_slice %add3A {offsets = [0, 0], sizes = [1000, 64], strides = [1, 1]} : vector<1000x80xf32> to vector<1000x64xf32>
    %mul3A_18 = vector.broadcast %div3A_16 : vector<1000x1xf32> to vector<1000x64xf32>
    %mul3A_19 = arith.mulf %slice3A_17, %mul3A_18 : vector<1000x64xf32>
    %get3A_20 = arith.constant 0 : index
    %get3A_21 = arith.constant 0 : index
    %get3A_22 = vector.load %arg3[%get3A_20, %get3A_21] : memref<128x64xf32, #tpu.memory_space<vmem>>, vector<128x64xf32>
    %dot_general3A = arith.constant dense<0.000000e+00> : vector<1000x128xf32>
    %dot_general3A_23 = tpu.matmul %mul3A_19, %get3A_22, %dot_general3A {dimension_numbers = #tpu.dot_dimension_numbers<[1], [1], [0], [0], [0, 0, 1, 0], [], []>, transpose_lhs_hint = false} : vector<1000x64xf32>, vector<128x64xf32>, vector<1000x128xf32> -> vector<1000x128xf32>
    %get3A_24 = arith.constant 0 : index
    %get3A_25 = arith.constant 0 : index
    %get3A_26 = vector.load %arg4[%get3A_24, %get3A_25] : memref<1x128xf32, #tpu.memory_space<vmem>>, vector<1x128xf32>
    %mul3A_27 = vector.broadcast %get3A_26 : vector<1x128xf32> to vector<1000x128xf32>
    %mul3A_28 = vector.broadcast %mul3A : vector<1000x1xf32> to vector<1000x128xf32>
    %mul3A_29 = arith.mulf %mul3A_27, %mul3A_28 : vector<1000x128xf32>
    %add3A_30 = arith.addf %dot_general3A_23, %mul3A_29 : vector<1000x128xf32>
    %get3A_31 = arith.constant 0 : index
    %get3A_32 = arith.constant 0 : index
    %get3A_33 = vector.load %arg5[%get3A_31, %get3A_32] : memref<384x128xf32, #tpu.memory_space<vmem>>, vector<384x128xf32>
    %dot_general3A_34 = arith.constant dense<0.000000e+00> : vector<1000x384xf32>
    %dot_general3A_35 = tpu.matmul %add3A_30, %get3A_33, %dot_general3A_34 {dimension_numbers = #tpu.dot_dimension_numbers<[1], [1], [0], [0], [0, 0, 1, 0], [], []>, transpose_lhs_hint = false} : vector<1000x128xf32>, vector<384x128xf32>, vector<1000x384xf32> -> vector<1000x384xf32>
    %get3A_36 = arith.constant 0 : index
    %get3A_37 = arith.constant 0 : index
    %get3A_38 = vector.load %arg6[%get3A_36, %get3A_37] : memref<1x384xf32, #tpu.memory_space<vmem>>, vector<1x384xf32>
    %add3A_39 = vector.broadcast %get3A_38 : vector<1x384xf32> to vector<1000x384xf32>
    %add3A_40 = arith.addf %dot_general3A_35, %add3A_39 : vector<1000x384xf32>
    %get3A_41 = arith.constant 0 : index
    %get3A_42 = arith.constant 0 : index
    %get3A_43 = vector.load %arg7[%get3A_41, %get3A_42] : memref<384x128xf32, #tpu.memory_space<vmem>>, vector<384x128xf32>
    %dot_general3A_44 = arith.constant dense<0.000000e+00> : vector<1000x384xf32>
    %dot_general3A_45 = tpu.matmul %get3A_11, %get3A_43, %dot_general3A_44 {dimension_numbers = #tpu.dot_dimension_numbers<[1], [1], [0], [0], [0, 0, 1, 0], [], []>, transpose_lhs_hint = false} : vector<1000x128xf32>, vector<384x128xf32>, vector<1000x384xf32> -> vector<1000x384xf32>
    %get3A_46 = arith.constant 0 : index
    %get3A_47 = arith.constant 0 : index
    %get3A_48 = vector.load %arg8[%get3A_46, %get3A_47] : memref<1x384xf32, #tpu.memory_space<vmem>>, vector<1x384xf32>
    %add3A_49 = vector.broadcast %get3A_48 : vector<1x384xf32> to vector<1000x384xf32>
    %add3A_50 = arith.addf %dot_general3A_45, %add3A_49 : vector<1000x384xf32>
    %slice3A_51 = vector.extract_strided_slice %add3A_40 {offsets = [0, 0], sizes = [1000, 128], strides = [1, 1]} : vector<1000x384xf32> to vector<1000x128xf32>
    %slice3A_52 = vector.extract_strided_slice %add3A_50 {offsets = [0, 0], sizes = [1000, 128], strides = [1, 1]} : vector<1000x384xf32> to vector<1000x128xf32>
    %add3A_53 = arith.addf %slice3A_51, %slice3A_52 : vector<1000x128xf32>
    %logistic3A = arith.negf %add3A_53 : vector<1000x128xf32>
    %logistic3A_54 = math.exp %logistic3A : vector<1000x128xf32>
    %logistic3A_55 = arith.constant 1.000000e+00 : f32
    %logistic3A_56 = vector.broadcast %logistic3A_55 : f32 to vector<1000x128xf32>
    %logistic3A_57 = arith.addf %logistic3A_56, %logistic3A_54 : vector<1000x128xf32>
    %logistic3A_58 = arith.divf %logistic3A_56, %logistic3A_57 : vector<1000x128xf32>
    %slice3A_59 = vector.extract_strided_slice %add3A_40 {offsets = [0, 128], sizes = [1000, 128], strides = [1, 1]} : vector<1000x384xf32> to vector<1000x128xf32>
    %slice3A_60 = vector.extract_strided_slice %add3A_50 {offsets = [0, 128], sizes = [1000, 128], strides = [1, 1]} : vector<1000x384xf32> to vector<1000x128xf32>
    %add3A_61 = arith.addf %slice3A_59, %slice3A_60 : vector<1000x128xf32>
    %logistic3A_62 = arith.negf %add3A_61 : vector<1000x128xf32>
    %logistic3A_63 = math.exp %logistic3A_62 : vector<1000x128xf32>
    %logistic3A_64 = arith.constant 1.000000e+00 : f32
    %logistic3A_65 = vector.broadcast %logistic3A_64 : f32 to vector<1000x128xf32>
    %logistic3A_66 = arith.addf %logistic3A_65, %logistic3A_63 : vector<1000x128xf32>
    %logistic3A_67 = arith.divf %logistic3A_65, %logistic3A_66 : vector<1000x128xf32>
    %slice3A_68 = vector.extract_strided_slice %add3A_40 {offsets = [0, 256], sizes = [1000, 128], strides = [1, 1]} : vector<1000x384xf32> to vector<1000x128xf32>
    %slice3A_69 = vector.extract_strided_slice %add3A_50 {offsets = [0, 256], sizes = [1000, 128], strides = [1, 1]} : vector<1000x384xf32> to vector<1000x128xf32>
    %mul3A_70 = arith.mulf %logistic3A_58, %slice3A_69 : vector<1000x128xf32>
    %add3A_71 = arith.addf %slice3A_68, %mul3A_70 : vector<1000x128xf32>
    %tanh3A = math.tanh %add3A_71 : vector<1000x128xf32>
    %sub3A = arith.constant 1.000000e+00 : f32
    %sub3A_72 = vector.broadcast %sub3A : f32 to vector<1000x128xf32>
    %sub3A_73 = arith.subf %sub3A_72, %logistic3A_67 : vector<1000x128xf32>
    %mul3A_74 = arith.mulf %sub3A_73, %tanh3A : vector<1000x128xf32>
    %mul3A_75 = arith.mulf %logistic3A_67, %get3A_11 : vector<1000x128xf32>
    %add3A_76 = arith.addf %mul3A_74, %mul3A_75 : vector<1000x128xf32>
    %get3A_77 = arith.constant 0 : index
    %get3A_78 = arith.constant 0 : index
    %get3A_79 = vector.load %arg9[%get3A_77, %get3A_78] : memref<1x128xf32, #tpu.memory_space<vmem>>, vector<1x128xf32>
    %add3A_80 = vector.broadcast %get3A_79 : vector<1x128xf32> to vector<1000x128xf32>
    %add3A_81 = arith.addf %add3A_76, %add3A_80 : vector<1000x128xf32>
    %swap3A = arith.constant 0 : index
    %swap3A_82 = arith.constant 0 : index
    %swap3A_83 = vector.load %arg10[%swap3A, %swap3A_82] : memref<1000x128xf32, #tpu.memory_space<vmem>>, vector<1000x128xf32>
    tpu.vector_store %arg10[%swap3A, %swap3A_82], %add3A_81 {strides = array<i32>} : memref<1000x128xf32, #tpu.memory_space<vmem>>, vector<1000x128xf32>,
    return
  }
  func.func @transform_0(%arg0: i32) -> (i32, i32, i32) {
    %c0_i32 = arith.constant 0 : i32
    %c0_i32_0 = arith.constant 0 : i32
    %c0_i32_1 = arith.constant 0 : i32
    return %c0_i32, %arg0, %c0_i32_0 : i32, i32, i32
  }
  func.func @transform_1(%arg0: i32) -> (i32, i32) {
    %c0_i32 = arith.constant 0 : i32
    %c0_i32_0 = arith.constant 0 : i32
    return %arg0, %c0_i32 : i32, i32
  }
  func.func @transform_2(%arg0: i32) -> (i32, i32) {
    %c0_i32 = arith.constant 0 : i32
    %c0_i32_0 = arith.constant 0 : i32
    %c0_i32_1 = arith.constant 0 : i32
    return %c0_i32, %c0_i32_0 : i32, i32
  }
  func.func @transform_3(%arg0: i32) -> (i32, i32) {
    %c0_i32 = arith.constant 0 : i32
    %c0_i32_0 = arith.constant 0 : i32
    %c0_i32_1 = arith.constant 0 : i32
    return %c0_i32, %c0_i32_0 : i32, i32
  }
  func.func @transform_4(%arg0: i32) -> (i32, i32) {
    %c0_i32 = arith.constant 0 : i32
    %c0_i32_0 = arith.constant 0 : i32
    %c0_i32_1 = arith.constant 0 : i32
    return %c0_i32, %c0_i32_0 : i32, i32
  }
  func.func @transform_5(%arg0: i32) -> (i32, i32) {
    %c0_i32 = arith.constant 0 : i32
    %c0_i32_0 = arith.constant 0 : i32
    %c0_i32_1 = arith.constant 0 : i32
    return %c0_i32, %c0_i32_0 : i32, i32
  }
  func.func @transform_6(%arg0: i32) -> (i32, i32) {
    %c0_i32 = arith.constant 0 : i32
    %c0_i32_0 = arith.constant 0 : i32
    %c0_i32_1 = arith.constant 0 : i32
    return %c0_i32, %c0_i32_0 : i32, i32
  }
  func.func @transform_7(%arg0: i32) -> (i32, i32) {
    %c0_i32 = arith.constant 0 : i32
    %c0_i32_0 = arith.constant 0 : i32
    %c0_i32_1 = arith.constant 0 : i32
    return %c0_i32, %c0_i32_0 : i32, i32
  }
  func.func @transform_8(%arg0: i32) -> (i32, i32) {
    %c0_i32 = arith.constant 0 : i32
    %c0_i32_0 = arith.constant 0 : i32
    %c0_i32_1 = arith.constant 0 : i32
    return %c0_i32, %c0_i32_0 : i32, i32
  }
  func.func @transform_9(%arg0: i32) -> (i32, i32) {
    %c0_i32 = arith.constant 0 : i32
    %c0_i32_0 = arith.constant 0 : i32
    return %arg0, %c0_i32 : i32, i32
  }
}

</mosaic_0001>

<sc_bundles>
// kernel: kernel.10.cloned.1.call-start
scs
__scs_entry_jumppad:
0x0: {  	(pc) =	sbr.rel $0x88, $3  }
0x1: {  	(tag) =	ssettag $0x0;
	lr =	simm.s32 $0x1  }
0x2: {  	[smem:$0x3F8F] =	sst lr;
	_ =	strace $0xD0000000  }
0x3: {  	_ = 	snop  }
0x4: {  	_ = 	snop  }
0x5: {  	_ = 	snop  }
0x6: {  	_ = 	snop  }
0x7: {  	_ = 	snop  }
__scs_overlays_trampoline_lowered:
0x8: {  	[smem:$0x3F9E] =	sst s0  }
0x9: {  	[smem:$0x3F9F] =	sst s1  }
0xa: {  	[smem:$0x3FA0] =	sst s2  }
0xb: {  	[smem:$0x3FA1] =	sst s3  }
0xc: {  	[smem:$0x3FA2] =	sst s4  }
0xd: {  	[smem:$0x3FA3] =	sst s5  }
0xe: {  	[smem:$0x3FA4] =	sst s6  }
0xf: {  	[smem:$0x3FA5] =	sst s7  }
0x10: {  	[smem:$0x3FA6] =	sst s8  }
0x11: {  	[smem:$0x3FA7] =	sst s9;
	s0 =	simm.s32 @!p0 $0x0  }
0x12: {  	s1 =	sld [smem:$0x3F8D];
	s0 =	simm.s32 @p0 $0x1  }
0x13: {  	[smem:$0x3FA8] =	sst s0;
	s0 =	simm.s32 @!p1 $0x0  }
0x14: {  	s2 =	sld [smem:$0x3F8C];
	s0 =	simm.s32 @p1 $0x1  }
0x15: {  	[smem:$0x3FA9] =	sst s0;
	s0 =	simm.s32 @!p2 $0x0  }
0x16: {  	s3 =	sld [smem:$0x3FDB];
	s0 =	simm.s32 @p2 $0x1  }
0x17: {  	s4 =	simm.s32 $0x1BF5;
	[smem:$0x3FAB] =	sst s0  }
0x18: {  	s0 =	sld [smem:$0x3F8E];
	_ =	swait.ge [sflag:s4], $0x0  }
0x19: {  	s7 =	sld [smem:$0x3F8F]  }
0x1a: {  	s8 =	sadd.s32 $0xFFFFE003, lr  }
0x1b: {  	s9 =	sadd.s32 $0xFFFFFEF7, lr;
	s5 =	simm.s32 $0xFFFFFFFF;
	p2 =	slt.u32 s8, $0xFFFFF086  }
0x1c: {  	p1 =	slt.u32 s9, $0xF7A;
	s5 =	simm.s32 @!p2 $0x0  }
0x1d: {  	s5 =	simm.s32 @p1 $0x1;
	p0 =	seq.s32 s7, s2  }
0x1e: {  	s7 =	smul.u32 @!p0 $0xF7A, s2;
	p2 =	seq.s32 @!p0 s5, $0x0  }
0x1f: {  	s9 =	smul.u32 $0xF7A, s1;
	s8 =	simm.s32 @!p0 $0x1BF5;
	p2 =	por !p2, p0  }
0x20: {  	[sflag:s8] =	ssyncset.s32 @!p0 $0xFFFFF086;
	s6 =	sadd.s32 @!p0 s3, s7;
	s7 =	simm.s32 @!p0 $0x108  }
0x21: {  	s3 =	sadd.s32 s3, s9;
	s6 =	sadd.s32 @!p0 $0x88, s6;
	s7 =	simm.s32 @p2 $0x1082  }
0x22: {  	[simem:s7], [sflag:s8] =	dma.local @!p0 [hbm:s6], $0xF7A  }
0x23: {  	s9 =	sor.u32 $0xD0000000, s2;
	s6 =	simm.s32 $0x108;
	_ =	swait.ge @!p0 [sflag:s8], $0x0  }
0x24: {  	s3 =	sadd.s32 $0x88, s3;
	s6 =	simm.s32 @!p1 $0x1082;
	[sflag:s4] =	ssyncset.s32 $0xFFFFF086  }
0x25: {  	[simem:s6], [sflag:s4] =	dma.local [hbm:s3], $0xF7A  }
0x26: {  	[smem:$0x3F8F] =	sst s1;
	(tag) =	ssettag s2;
	_ =	strace s9  }
0x27: {  	s1 =	sld [smem:$0x3F9F]  }
0x28: {  	s2 =	sld [smem:$0x3FA0]  }
0x29: {  	s4 =	sld [smem:$0x3FA2]  }
0x2a: {  	p0 =	seq.s32 s5, $0x0;
	s5 =	sld [smem:$0x3FA3]  }
0x2b: {  	s6 =	sld [smem:$0x3FA4]  }
0x2c: {  	s7 =	sld [smem:$0x3FA5]  }
0x2d: {  	s3 =	simm.s32 $0x108;
	s8 =	sld [smem:$0x3FA6]  }
0x2e: {  	s3 =	simm.s32 @!p0 $0x1082;
	s9 =	sld [smem:$0x3FA7]  }
0x2f: {  	lr =	sadd.s32 s0, s3;
	s0 =	sld [smem:$0x3F9E]  }
0x30: {  	s3 =	sld [smem:$0x3FA1]  }
0x31: {  	[smem:$0x3FAA] =	sst s10  }
0x32: {  	s10 =	sld [smem:$0x3FA8];
	_ =	sdelay $0x3  }
0x33: {  	p0 =	seq.s32 s10, $0x1;
	s10 =	sld [smem:$0x3FAA];
	_ =	sdelay $0x3  }
0x34: {  	[smem:$0x3FAA] =	sst s10  }
0x35: {  	s10 =	sld [smem:$0x3FA9];
	_ =	sdelay $0x3  }
0x36: {  	p1 =	seq.s32 s10, $0x1;
	s10 =	sld [smem:$0x3FAA];
	_ =	sdelay $0x3  }
0x37: {  	[smem:$0x3FAA] =	sst s10  }
0x38: {  	s10 =	sld [smem:$0x3FAB]  }
0x39: {  	_ = 	snop;
	(pc) =	sbr.ind lr, $3  }
0x3a: {  	_ = 	snop  }
0x3b: {  	_ = 	snop  }
0x3c: {  	p2 =	seq.s32 s10, $0x1;
	s10 =	sld [smem:$0x3FAA]  }
0x3d: {  	_ =	shalt  }
0x3e: {  	_ =	shalt  }
0x3f: {  	_ =	shalt  }
0x40: {  	_ =	shalt  }
0x41: {  	_ =	shalt  }
0x42: {  	_ =	shalt  }
0x43: {  	_ =	shalt  }
0x44: {  	_ =	shalt  }
0x45: {  	_ =	shalt  }
0x46: {  	_ =	shalt  }
0x47: {  	_ =	shalt  }
0x48: {  	_ =	shalt  }
0x49: {  	_ =	shalt  }
0x4a: {  	_ =	shalt  }
0x4b: {  	_ =	shalt  }
0x4c: {  	_ =	shalt  }
0x4d: {  	_ =	shalt  }
0x4e: {  	_ =	shalt  }
0x4f: {  	_ =	shalt  }
0x50: {  	_ =	shalt  }
0x51: {  	_ =	shalt  }
0x52: {  	_ =	shalt  }
0x53: {  	_ =	shalt  }
0x54: {  	_ =	shalt  }
0x55: {  	_ =	shalt  }
0x56: {  	_ =	shalt  }
0x57: {  	_ =	shalt  }
0x58: {  	_ =	shalt  }
0x59: {  	_ =	shalt  }
0x5a: {  	_ =	shalt  }
0x5b: {  	_ =	shalt  }
0x5c: {  	_ =	shalt  }
0x5d: {  	_ =	shalt  }
0x5e: {  	_ =	shalt  }
0x5f: {  	_ =	shalt  }
0x60: {  	_ =	shalt  }
0x61: {  	_ =	shalt  }
0x62: {  	_ =	shalt  }
0x63: {  	_ =	shalt  }
0x64: {  	_ =	shalt  }
0x65: {  	_ =	shalt  }
0x66: {  	_ =	shalt  }
0x67: {  	_ =	shalt  }
0x68: {  	_ =	shalt  }
0x69: {  	_ =	shalt  }
0x6a: {  	_ =	shalt  }
0x6b: {  	_ =	shalt  }
0x6c: {  	_ =	shalt  }
0x6d: {  	_ =	shalt  }
0x6e: {  	_ =	shalt  }
0x6f: {  	_ =	shalt  }
0x70: {  	_ =	shalt  }
0x71: {  	_ =	shalt  }
0x72: {  	_ =	shalt  }
0x73: {  	_ =	shalt  }
0x74: {  	_ =	shalt  }
0x75: {  	_ =	shalt  }
0x76: {  	_ =	shalt  }
0x77: {  	_ =	shalt  }
0x78: {  	_ =	shalt  }
0x79: {  	_ =	shalt  }
0x7a: {  	_ =	shalt  }
0x7b: {  	_ =	shalt  }
0x7c: {  	_ =	shalt  }
0x7d: {  	_ =	shalt  }
0x7e: {  	_ =	shalt  }
0x7f: {  	_ =	shalt  }
0x80: {  	_ =	shalt  }
0x81: {  	_ =	shalt  }
0x82: {  	_ =	shalt  }
0x83: {  	_ =	shalt  }
0x84: {  	_ =	shalt  }
0x85: {  	_ =	shalt  }
0x86: {  	_ =	shalt  }
0x87: {  	_ =	shalt  }
.Lfunc_end0:
.L_simem_size_0:
called_computation.1_lowered:
.L_overlay_start_0:
0x88: {  	s2 =	sld [smem:$0x3FD9]  }
0x89: {  	s3 =	sld [smem:$0x3FFE];
	_ =	sdelay $0x1  }
0x8a: {  	s1 =	srdreg.scid  }
0x8b: {  	s0 =	sand.u32 $0x1, s1  }
0x8c: {  	s16 =	sshll.u32 s0, $0xA;
	s2 =	sadd.s32 s3, s2  }
0x8d: {  	s2 =	sadd.s32 s2, s16  }
0x8e: {  	[smem:$0x3FB6] =	sst s2  }
0x8f: {  	_ = 	snop  }
0x90: {  	(tm) =	ssettm $0x1  }
0x91: {  	s17 =	sld [smem:$0x3FFB];
	_ =	sdelay $0x3  }
0x92: {  	_ =	strace s17  }
0x93: {  	s2 =	sld [smem:$0x3FFC];
	_ =	sdelay $0x3  }
0x94: {  	_ =	strace s2  }
0x95: {  	s2 =	sld [smem:$0x3FFD];
	_ =	sdelay $0x3  }
0x96: {  	_ =	strace s2  }
0x97: {  	_ =	strace $0x8FFFFFFF  }
0x98: {  	s18 =	sld [smem:$0x3FDB];
	_ =	sdelay $0x1  }
0x99: {  	s19 =	simm.s32 $_scs_section_size  }
0x9a: {  	s4 =	simm.s32 $_size__tile_overlayer_lowered;
	s5 =	simm.s32 $_tile_overlayer_lowered  }
0x9b: {  	s22 =	simm.s32 $0x1BFF;
	s21 =	sshll.u32 s5, $0x1;
	s2 =	sadd.s32 s19, s18  }
0x9c: {  	s6 =	simm.s32 $0x0;
	s20 =	sshll.u32 s4, $0x1;
	s4 =	sadd.s32 s21, s2  }
0x9d: {  	[timem:s6], [sflag:s22] =	dma.local [hbm:s4], s20  }
0x9e: {  	_ =	swait.ge [sflag:s22], s20  }
0x9f: {  	s3 =	ssub.s32 $0x0, s20;
	[sflag:s22] =	ssyncset.done $0x0  }
0xa0: {  	[sflag:s22] =	ssyncadd.s32 s3;
	_ =	sdelay $0x1  }
0xa1: {  	s23 =	simm.s32 $0x1B8B  }
0xa2: {  	_ =	swait.ge [sflag:s23], $0x1  }
0xa3: {  	[sflag:s23] =	ssyncset.done $0x0  }
0xa4: {  	s25 =	simm.s32 $0x1B8E;
	s24 =	sld [smem:$0x3FFE];
	[sflag:s23] =	ssyncadd.s32 $0xFFFFFFFF  }
0xa5: {  	s26 =	simm.s32 $execute0_lowered;
	[smem:$0x3FD2] =	sst s25  }
0xa6: {  	s4 =	sshll.u32 s26, $0x1;
	_ =	strace $0x80000049;
	[dreg:$0x1] =	wrdreg $0xFFFFFFFF  }
0xa7: {  	s28 =	simm.s32 $_size_execute0_lowered;
	s2 =	sadd.s32 s2, s4;
	[dreg:$0x0] =	wrdreg $0x0  }
0xa8: {  	s4 =	sshll.u32 s28, $0x1;
	[dreg:$0x2] =	wrdreg s2  }
0xa9: {  	[dreg:$0x3] =	wrdreg s4  }
0xaa: {  	[dreg:$0x4] =	wrdreg $0xC0  }
0xab: {  	_ =	task [dreg:s6], $0x5FFFF  }
0xac: {  	[dreg:$0x1] =	wrdreg $0xFFFFFFFF  }
0xad: {  	[dreg:$0x0] =	wrdreg $0x60  }
0xae: {  	[dreg:$0x2] =	wrdreg s24  }
0xaf: {  	[dreg:$0x3] =	wrdreg $0x131000  }
0xb0: {  	[dreg:$0x4] =	wrdreg $0x9  }
0xb1: {  	_ =	task.clear_ibuf [dreg:s6], $0x5FFFF;
	_ =	strace $0x90000049  }
0xb2: {  	s29 =	simm.s32 $0x9;
	_ =	strace $0x8000004B  }
0xb3: {  	_ =	swait.ge [sflag:s29], $0x1  }
0xb4: {  	[sflag:s29] =	ssyncadd.s32 $0xFFFFFFFF  }
0xb5: {  	_ =	strace $0x9000004B  }
0xb6: {  	_ =	sfence  }
0xb7: {  	s30 =	sld [smem:$0x0];
	_ =	sdelay $0x2  }
0xb8: {  	s31 =	sshll.u32 s1, $0xD;
	s1 =	sshrl.u32 s1, $0x2  }
0xb9: {  	s3 =	sand.u32 $0x4000, s31;
	s1 =	sadd.s32 s1, s30  }
0xba: {  	s0 =	sor.u32 s3, s0;
	s1 =	sshll.u32 s1, $0x11  }
0xbb: {  	s0 =	sor.u32 s1, s0  }
0xbc: {  	s0 =	sadd.s32 $0x8F2B, s0  }
0xbd: {  	[sflag:s0] =	ssyncadd.remote.s32 $0x1  }
0xbe: {  	_ =	sfence.sel $0xFFFF  }
0xbf: {  	[dreg:$0x0] =	wrdreg $0xFFFFFFFF;
	(pc) =	sbr.abs _section_cstart, $3  }
0xc0: {  	[dreg:$0x1] =	wrdreg $0xFFFFFFFF  }
0xc1: {  	_ =	task.clear_ibuf [dreg:s6], $0x2FFFF;
	_ =	strace $0x9FFFFFFF  }
0xc2: {  	(tm) =	ssettm $0x7FFFFFFF  }
0xc3: {  	_ =	shalt  }
tec
execute0_lowered:
.L_overlay_start_1:
0x0: {  	(tag) =	ssettag $0x1  }
0x1: {  	s0 =	srdreg.scid;
	s4 =	rddreg [dreg:$0x0]  }
0x2: {  	s2 =	rddreg [dreg:$0x1];
	s3 =	simm.s32 $0x0;
	s14 =	simm.s32 $0x4A60  }
0x3: {  	s15 =	simm.s32 $0x1;
	s5 =	sand.u32 $0x1, s0;
	s0 =	stileid.u32  }
0x4: {  	s16 =	simm.s32 $0x70;
	s17 =	simm.s32 $0x2;
	s8 =	smul.u32 $0xC3A0, s0  }
0x5: {  	s18 =	simm.s32 $0x2680;
	s19 =	simm.s32 $0x26F0;
	s9 =	smul.u32 $0xC3A00, s5  }
0x6: {  	s20 =	simm.s32 $0x0;
	s1 =	sshll.u32 s5, $0x4;
	s30 =	smul.u32 $0x189C00, s5  }
0x7: {  	[smem:$0x7FF] =	sst s3;
	s13 =	smul.u32 $0x189C0, s0;
	s6 =	sor.u32 s0, s1  }
0x8: {  	s10 =	sadd.s32 $0x26A00, s4;
	s11 =	ssub.s32 $0x2, s5;
	s7 =	smul.u32 $0x4EC, s6  }
0x9: {  	s1 =	rddreg [dreg:$0x2];
	_ =	strace $0x8000004A;
	s12 =	smul.u32 $0x189C0, s6  }
0xa: {  	s29 =	sshrl.u32 s11, $0x1;
	s9 =	sadd.s32 s8, s9;
	s6 =	smul.u32 $0xC4E00, s6  }
0xb: {  	s11 =	ssub.s32 s11, s29;
	s9 =	sshrl.u32 s9, $0x3;
	s7 =	sadd.s32 s7, s4  }
0xc: {  	s9 =	sadd.s32 s9, s4;
	s4 =	sadd.s32 s8, s2;
	s31 =	sshrl.u32 s6, $0x3  }
0xd: {  	s6 =	sadd.s32 s10, s12;
	s12 =	simm.s32 $0x3;
	s5 =	sadd.s32 $0x1CC00, s7  }
0xe: {  	s7 =	sadd.s32 s10, s31;
	s10 =	sadd.s32 s30, s10;
	s8 =	sadd.s32 $0x33A200, s9  }
0xf: {  	s9 =	smax.u32 s11, $0x1;
	s11 =	simm.s32 $0x6D60;
	s10 =	sadd.s32 s13, s10  }
0x10: {  	v0 =	vimm.f32 $0.0e+00;
	s7 =	sadd.s32 $0x460, s7;
	s13 =	simm.s32 $0x2760;
	s10 =	sadd.s32 $0xD20, s10  }
.LBB2_1:
0x11: {  	s22 =	simm.s32 $0x140;
	s21 =	simm.s32 $0x0  }
.LBB2_2:
0x12: {  	p0 =	sne.s32 s22, $0x30D40;
	[tilespmem:s21+$0x6DA0] =	vst v0;
	s23 =	smov.u32 s22;
	s22 =	sadd.s32 $0x140, s22  }
.Ltmp0:
0x13: {  	[tilespmem:s21+$0x6D90] =	vst v0;
	(pc) =	sbr.rel @p0 .LBB2_2-.Ltmp0, $4  }
0x14: {  	[tilespmem:s21+$0x6D80] =	vst v0  }
0x15: {  	[tilespmem:s21+$0x6D60] =	vst v0  }
0x16: {  	[tilespmem:s21+$0x6D70] =	vst v0  }
0x17: {  	s21 =	sshra.s32 s23, $0x2  }
0x18: {  	[tilespmem:s21+$0x6DA0] =	vst v0  }
0x19: {  	[tilespmem:s21+$0x6D90] =	vst v0  }
0x1a: {  	[tilespmem:s21+$0x6D80] =	vst v0  }
0x1b: {  	[tilespmem:s21+$0x6D60] =	vst v0  }
0x1c: {  	[tilespmem:s21+$0x6D70] =	vst v0  }
0x1d: {  	[spmem:s4] =	stream.linear.scatter [tilespmem:s11], [sflag:$0x3], $0xC3A0, $0x38;
	[tilespmem:$0x1F4A0] =	vst v63  }
0x1e: {  	_ =	swait.ge [sflag:s12], $0xC3A0  }
0x1f: {  	[sflag:s12] =	ssyncset.done $0x0  }
0x20: {  	[sflag:s12] =	ssyncadd.s32 $0xFFFF3C60  }
0x21: {  	s28 =	simm.s32 $0x0;
	[bflag:$0x0] =	sbarrier.arrive $0xFFFF  }
0x22: {  	[tilespmem:s28], [sflag:$0x3] =	stream.linear.gather [hbm4b:s5+s28], $0x2760, $0x38;
	[tilespmem:$0x1F4A0] =	vst v63  }
0x23: {  	_ =	swait.ge [sflag:s12], $0x2760  }
0x24: {  	[sflag:s12] =	ssyncset.done $0x0  }
0x25: {  	[sflag:s12] =	ssyncadd.s32 $0xFFFFD8A0  }
0x26: {  	[tilespmem:s13], [sflag:$0x1] =	stream.linear.gather [hbm4b:s6+s28], $0x2300, $0x38;
	[tilespmem:$0x1F4A0] =	vst v63  }
0x27: {  	_ = 	snop  }
0x28: {  	[tilespmem:s14], [sflag:$0x2] =	stream.linear.gather [hbm4b:s7+s28], $0x2300, $0x38;
	[tilespmem:$0x1F4A0] =	vst v63  }
0x29: {  	_ =	swait.ge [sflag:s15], $0x2300  }
0x2a: {  	[sflag:s15] =	ssyncset.done $0x0  }
0x2b: {  	s29 =	simm.s32 $0x0;
	[sflag:s15] =	ssyncadd.s32 $0xFFFFDD00  }
0x2c: {  	[spmem:s2] =	stream.indirect.scatter.add.f32 [tilespmem:s13], [sflag:$0x3], $0x50, s29, s16, $0xb8;
	[tilespmem:$0x1F4A0] =	vst v63  }
0x2d: {  	_ =	swait.ge [sflag:s12], $0x2300  }
0x2e: {  	[sflag:s12] =	ssyncset.done $0x0  }
0x2f: {  	s30 =	sadd.s32 $0xFFFFFBA0, s10;
	[sflag:s12] =	ssyncadd.s32 $0xFFFFDD00  }
0x30: {  	[tilespmem:s13], [sflag:$0x1] =	stream.linear.gather [hbm4b:s30+s3], $0x2300, $0x38;
	[tilespmem:$0x1F4A0] =	vst v63  }
0x31: {  	_ =	swait.ge [sflag:s17], $0x2300  }
0x32: {  	[sflag:s17] =	ssyncset.done $0x0  }
0x33: {  	s31 =	simm.s32 $0x70;
	[sflag:s17] =	ssyncadd.s32 $0xFFFFDD00  }
0x34: {  	[spmem:s2] =	stream.indirect.scatter.add.f32 [tilespmem:s14], [sflag:$0x3], $0x50, s31, s16, $0xb8;
	[tilespmem:$0x1F4A0] =	vst v63  }
0x35: {  	_ =	swait.ge [sflag:s12], $0x2300  }
0x36: {  	s21 =	simm.s32 $0x380;
	[sflag:s12] =	ssyncset.done $0x0  }
0x37: {  	s22 =	sadd.s32 $0x8C0, s10;
	s23 =	smov.u32 s10;
	[sflag:s12] =	ssyncadd.s32 $0xFFFFDD00  }
.LBB2_4:
0x38: {  	[tilespmem:s14], [sflag:$0x2] =	stream.linear.gather [hbm4b:s23+s3], $0x2300, $0x38;
	[tilespmem:$0x1F4A0] =	vst v63  }
0x39: {  	s24 =	smov.u32 s21;
	s23 =	smov.u32 s22  }
0x3a: {  	p0 =	sne.s32 s21, $0x9680;
	s21 =	sadd.s32 $0x380, s21;
	_ =	swait.ge [sflag:s15], $0x2300  }
0x3b: {  	[sflag:s15] =	ssyncset.done $0x0  }
0x3c: {  	s24 =	sshra.s32 s24, $0x2;
	[sflag:s15] =	ssyncadd.s32 $0xFFFFDD00  }
0x3d: {  	[spmem:s2] =	stream.indirect.scatter.add.f32 [tilespmem:s13], [sflag:$0x3], $0x50, s24, s16, $0xb8;
	[tilespmem:$0x1F4A0] =	vst v63  }
0x3e: {  	_ =	swait.ge [sflag:s12], $0x2300  }
0x3f: {  	[sflag:s12] =	ssyncset.done $0x0  }
0x40: {  	s25 =	sadd.s32 $0xFFFFFBA0, s22;
	[sflag:s12] =	ssyncadd.s32 $0xFFFFDD00  }
0x41: {  	[tilespmem:s13], [sflag:$0x1] =	stream.linear.gather [hbm4b:s25+s3], $0x2300, $0x38;
	[tilespmem:$0x1F4A0] =	vst v63  }
0x42: {  	_ =	swait.ge [sflag:s17], $0x2300  }
0x43: {  	[sflag:s17] =	ssyncset.done $0x0  }
.Ltmp1:
0x44: {  	s24 =	sadd.s32 $0x70, s24;
	[sflag:s17] =	ssyncadd.s32 $0xFFFFDD00;
	(pc) =	sbr.rel @p0 .LBB2_4-.Ltmp1, $4  }
0x45: {  	[spmem:s2] =	stream.indirect.scatter.add.f32 [tilespmem:s14], [sflag:$0x3], $0x50, s24, s16, $0xb8;
	[tilespmem:$0x1F4A0] =	vst v63  }
0x46: {  	_ =	swait.ge [sflag:s12], $0x2300  }
0x47: {  	[sflag:s12] =	ssyncset.done $0x0  }
0x48: {  	s22 =	sadd.s32 $0x8C0, s22;
	[sflag:s12] =	ssyncadd.s32 $0xFFFFDD00  }
0x49: {  	[tilespmem:s14], [sflag:$0x2] =	stream.linear.gather [hbm4b:s23+s3], $0x2300, $0x38;
	[tilespmem:$0x1F4A0] =	vst v63  }
0x4a: {  	_ =	swait.ge [sflag:s15], $0x2300  }
0x4b: {  	[sflag:s15] =	ssyncset.done $0x0  }
0x4c: {  	[sflag:s15] =	ssyncadd.s32 $0xFFFFDD00  }
0x4d: {  	[spmem:s2] =	stream.indirect.scatter.add.f32 [tilespmem:s13], [sflag:$0x3], $0x50, s18, s16, $0xb8;
	[tilespmem:$0x1F4A0] =	vst v63  }
0x4e: {  	_ =	swait.ge [sflag:s12], $0x2300  }
0x4f: {  	[sflag:s12] =	ssyncset.done $0x0  }
0x50: {  	[sflag:s12] =	ssyncadd.s32 $0xFFFFDD00  }
0x51: {  	_ =	swait.ge [sflag:s17], $0x2300  }
0x52: {  	[sflag:s17] =	ssyncset.done $0x0  }
0x53: {  	[sflag:s17] =	ssyncadd.s32 $0xFFFFDD00  }
0x54: {  	[spmem:s2] =	stream.indirect.scatter.add.f32 [tilespmem:s14], [sflag:$0x3], $0x50, s19, s16, $0xb8;
	[tilespmem:$0x1F4A0] =	vst v63  }
0x55: {  	_ =	swait.ge [sflag:s12], $0x2300  }
0x56: {  	[sflag:s12] =	ssyncset.done $0x0  }
0x57: {  	[sflag:s12] =	ssyncadd.s32 $0xFFFFDD00  }
0x58: {  	[bflag:$0x0] =	sbarrier.arrive $0xFFFF  }
0x59: {  	[tilespmem:s11], [sflag:$0x3] =	stream.linear.gather [spmem:s4], $0xC3A0, $0x38;
	[tilespmem:$0x1F4A0] =	vst v63  }
0x5a: {  	s20 =	sadd.s32 $0x1, s20;
	_ =	swait.ge [sflag:s12], $0xC3A0  }
0x5b: {  	p0 =	sne.s32 s20, s9;
	[sflag:s12] =	ssyncset.done $0x0  }
.Ltmp2:
0x5c: {  	[sflag:s12] =	ssyncadd.s32 $0xFFFF3C60;
	(pc) =	sbr.rel @p0 .LBB2_1-.Ltmp2, $4  }
0x5d: {  	[hbm4b:s8+s3] =	stream.linear.scatter [tilespmem:s11], [sflag:$0x3], $0xC3A0, $0x38;
	[tilespmem:$0x1F4A0] =	vst v63  }
0x5e: {  	_ =	swait.ge [sflag:s12], $0xC3A0  }
0x5f: {  	[sflag:s12] =	ssyncset.done $0x0  }
0x60: {  	[sflag:s12] =	ssyncadd.s32 $0xFFFF3C60  }
0x61: {  	_ =	sfence.sel $0x180000  }
0x62: {  	[bflag:$0x0] =	sbarrier.arrive $0xFFFF  }
0x63: {  	p0 =	sne.s32 s0, $0x0;
	_ =	strace $0x9000004A  }
0x64: {  	s0 =	sadd.s32 @!p0 $0x100000, s1;
	[bflag:$0x2] =	sbarrier.arrive $0xFFFF  }
0x65: {  	[sflag:s0] =	ssyncadd.tile.s32 @!p0 $0x1;
	_ =	shalt  }
.Lfunc_end2:
_tile_overlayer_lowered:
.L_overlay_start_2:
0x66: {  	(tag) =	ssettag $0x2  }
0x67: {  	s0 =	rddreg [dreg:$0x0];
	s2 =	stileid.u32  }
0x68: {  	s1 =	rddreg [dreg:$0x1];
	p0 =	sne.s32 s2, $0x0  }
0x69: {  	s3 =	rddreg [dreg:$0x2];
	[bflag:$0x3] =	sbarrier.arrive $0xFFFF;
	s2 =	simm.s32 @!p0 $0x1C03  }
0x6a: {  	[timem:s3], [sflag:s2] =	dma.local @!p0 [hbm:s0], s1  }
0x6b: {  	s0 =	simm.s32 @!p0 $0x3  }
0x6c: {  	_ =	swait.ge @!p0 [sflag:s0], s1  }
0x6d: {  	s1 =	ssub.s32 @!p0 $0x0, s1;
	[sflag:s0] =	ssyncset.done @!p0 $0x0  }
0x6e: {  	[sflag:s0] =	ssyncadd.s32 @!p0 s1  }
0x6f: {  	[bflag:$0x3] =	sbarrier.arrive $0xFFFF  }
0x70: {  	_ =	shalt  }

// kernel: kernel.7.cloned.1.call-start
scs
__scs_entry_jumppad:
0x0: {  	(pc) =	sbr.rel $0x88, $3  }
0x1: {  	(tag) =	ssettag $0x0;
	lr =	simm.s32 $0x1  }
0x2: {  	[smem:$0x3F8F] =	sst lr;
	_ =	strace $0xD0000000  }
0x3: {  	_ = 	snop  }
0x4: {  	_ = 	snop  }
0x5: {  	_ = 	snop  }
0x6: {  	_ = 	snop  }
0x7: {  	_ = 	snop  }
__scs_overlays_trampoline_lowered:
0x8: {  	[smem:$0x3F9E] =	sst s0  }
0x9: {  	[smem:$0x3F9F] =	sst s1  }
0xa: {  	[smem:$0x3FA0] =	sst s2  }
0xb: {  	[smem:$0x3FA1] =	sst s3  }
0xc: {  	[smem:$0x3FA2] =	sst s4  }
0xd: {  	[smem:$0x3FA3] =	sst s5  }
0xe: {  	[smem:$0x3FA4] =	sst s6  }
0xf: {  	[smem:$0x3FA5] =	sst s7  }
0x10: {  	[smem:$0x3FA6] =	sst s8  }
0x11: {  	[smem:$0x3FA7] =	sst s9;
	s0 =	simm.s32 @!p0 $0x0  }
0x12: {  	s1 =	sld [smem:$0x3F8D];
	s0 =	simm.s32 @p0 $0x1  }
0x13: {  	[smem:$0x3FA8] =	sst s0;
	s0 =	simm.s32 @!p1 $0x0  }
0x14: {  	s2 =	sld [smem:$0x3F8C];
	s0 =	simm.s32 @p1 $0x1  }
0x15: {  	[smem:$0x3FA9] =	sst s0;
	s0 =	simm.s32 @!p2 $0x0  }
0x16: {  	s3 =	sld [smem:$0x3FDB];
	s0 =	simm.s32 @p2 $0x1  }
0x17: {  	s4 =	simm.s32 $0x1BF5;
	[smem:$0x3FAB] =	sst s0  }
0x18: {  	s0 =	sld [smem:$0x3F8E];
	_ =	swait.ge [sflag:s4], $0x0  }
0x19: {  	s7 =	sld [smem:$0x3F8F]  }
0x1a: {  	s8 =	sadd.s32 $0xFFFFE003, lr  }
0x1b: {  	s9 =	sadd.s32 $0xFFFFFEF7, lr;
	s5 =	simm.s32 $0xFFFFFFFF;
	p2 =	slt.u32 s8, $0xFFFFF086  }
0x1c: {  	p1 =	slt.u32 s9, $0xF7A;
	s5 =	simm.s32 @!p2 $0x0  }
0x1d: {  	s5 =	simm.s32 @p1 $0x1;
	p0 =	seq.s32 s7, s2  }
0x1e: {  	s7 =	smul.u32 @!p0 $0xF7A, s2;
	p2 =	seq.s32 @!p0 s5, $0x0  }
0x1f: {  	s9 =	smul.u32 $0xF7A, s1;
	s8 =	simm.s32 @!p0 $0x1BF5;
	p2 =	por !p2, p0  }
0x20: {  	[sflag:s8] =	ssyncset.s32 @!p0 $0xFFFFF086;
	s6 =	sadd.s32 @!p0 s3, s7;
	s7 =	simm.s32 @!p0 $0x108  }
0x21: {  	s3 =	sadd.s32 s3, s9;
	s6 =	sadd.s32 @!p0 $0x88, s6;
	s7 =	simm.s32 @p2 $0x1082  }
0x22: {  	[simem:s7], [sflag:s8] =	dma.local @!p0 [hbm:s6], $0xF7A  }
0x23: {  	s9 =	sor.u32 $0xD0000000, s2;
	s6 =	simm.s32 $0x108;
	_ =	swait.ge @!p0 [sflag:s8], $0x0  }
0x24: {  	s3 =	sadd.s32 $0x88, s3;
	s6 =	simm.s32 @!p1 $0x1082;
	[sflag:s4] =	ssyncset.s32 $0xFFFFF086  }
0x25: {  	[simem:s6], [sflag:s4] =	dma.local [hbm:s3], $0xF7A  }
0x26: {  	[smem:$0x3F8F] =	sst s1;
	(tag) =	ssettag s2;
	_ =	strace s9  }
0x27: {  	s1 =	sld [smem:$0x3F9F]  }
0x28: {  	s2 =	sld [smem:$0x3FA0]  }
0x29: {  	s4 =	sld [smem:$0x3FA2]  }
0x2a: {  	p0 =	seq.s32 s5, $0x0;
	s5 =	sld [smem:$0x3FA3]  }
0x2b: {  	s6 =	sld [smem:$0x3FA4]  }
0x2c: {  	s7 =	sld [smem:$0x3FA5]  }
0x2d: {  	s3 =	simm.s32 $0x108;
	s8 =	sld [smem:$0x3FA6]  }
0x2e: {  	s3 =	simm.s32 @!p0 $0x1082;
	s9 =	sld [smem:$0x3FA7]  }
0x2f: {  	lr =	sadd.s32 s0, s3;
	s0 =	sld [smem:$0x3F9E]  }
0x30: {  	s3 =	sld [smem:$0x3FA1]  }
0x31: {  	[smem:$0x3FAA] =	sst s10  }
0x32: {  	s10 =	sld [smem:$0x3FA8];
	_ =	sdelay $0x3  }
0x33: {  	p0 =	seq.s32 s10, $0x1;
	s10 =	sld [smem:$0x3FAA];
	_ =	sdelay $0x3  }
0x34: {  	[smem:$0x3FAA] =	sst s10  }
0x35: {  	s10 =	sld [smem:$0x3FA9];
	_ =	sdelay $0x3  }
0x36: {  	p1 =	seq.s32 s10, $0x1;
	s10 =	sld [smem:$0x3FAA];
	_ =	sdelay $0x3  }
0x37: {  	[smem:$0x3FAA] =	sst s10  }
0x38: {  	s10 =	sld [smem:$0x3FAB]  }
0x39: {  	_ = 	snop;
	(pc) =	sbr.ind lr, $3  }
0x3a: {  	_ = 	snop  }
0x3b: {  	_ = 	snop  }
0x3c: {  	p2 =	seq.s32 s10, $0x1;
	s10 =	sld [smem:$0x3FAA]  }
0x3d: {  	_ =	shalt  }
0x3e: {  	_ =	shalt  }
0x3f: {  	_ =	shalt  }
0x40: {  	_ =	shalt  }
0x41: {  	_ =	shalt  }
0x42: {  	_ =	shalt  }
0x43: {  	_ =	shalt  }
0x44: {  	_ =	shalt  }
0x45: {  	_ =	shalt  }
0x46: {  	_ =	shalt  }
0x47: {  	_ =	shalt  }
0x48: {  	_ =	shalt  }
0x49: {  	_ =	shalt  }
0x4a: {  	_ =	shalt  }
0x4b: {  	_ =	shalt  }
0x4c: {  	_ =	shalt  }
0x4d: {  	_ =	shalt  }
0x4e: {  	_ =	shalt  }
0x4f: {  	_ =	shalt  }
0x50: {  	_ =	shalt  }
0x51: {  	_ =	shalt  }
0x52: {  	_ =	shalt  }
0x53: {  	_ =	shalt  }
0x54: {  	_ =	shalt  }
0x55: {  	_ =	shalt  }
0x56: {  	_ =	shalt  }
0x57: {  	_ =	shalt  }
0x58: {  	_ =	shalt  }
0x59: {  	_ =	shalt  }
0x5a: {  	_ =	shalt  }
0x5b: {  	_ =	shalt  }
0x5c: {  	_ =	shalt  }
0x5d: {  	_ =	shalt  }
0x5e: {  	_ =	shalt  }
0x5f: {  	_ =	shalt  }
0x60: {  	_ =	shalt  }
0x61: {  	_ =	shalt  }
0x62: {  	_ =	shalt  }
0x63: {  	_ =	shalt  }
0x64: {  	_ =	shalt  }
0x65: {  	_ =	shalt  }
0x66: {  	_ =	shalt  }
0x67: {  	_ =	shalt  }
0x68: {  	_ =	shalt  }
0x69: {  	_ =	shalt  }
0x6a: {  	_ =	shalt  }
0x6b: {  	_ =	shalt  }
0x6c: {  	_ =	shalt  }
0x6d: {  	_ =	shalt  }
0x6e: {  	_ =	shalt  }
0x6f: {  	_ =	shalt  }
0x70: {  	_ =	shalt  }
0x71: {  	_ =	shalt  }
0x72: {  	_ =	shalt  }
0x73: {  	_ =	shalt  }
0x74: {  	_ =	shalt  }
0x75: {  	_ =	shalt  }
0x76: {  	_ =	shalt  }
0x77: {  	_ =	shalt  }
0x78: {  	_ =	shalt  }
0x79: {  	_ =	shalt  }
0x7a: {  	_ =	shalt  }
0x7b: {  	_ =	shalt  }
0x7c: {  	_ =	shalt  }
0x7d: {  	_ =	shalt  }
0x7e: {  	_ =	shalt  }
0x7f: {  	_ =	shalt  }
0x80: {  	_ =	shalt  }
0x81: {  	_ =	shalt  }
0x82: {  	_ =	shalt  }
0x83: {  	_ =	shalt  }
0x84: {  	_ =	shalt  }
0x85: {  	_ =	shalt  }
0x86: {  	_ =	shalt  }
0x87: {  	_ =	shalt  }
.Lfunc_end0:
.L_simem_size_0:
called_computation_lowered:
.L_overlay_start_0:
0x88: {  	s2 =	sld [smem:$0x3FD9]  }
0x89: {  	s3 =	sld [smem:$0x3FFE];
	_ =	sdelay $0x1  }
0x8a: {  	s1 =	srdreg.scid  }
0x8b: {  	s0 =	sand.u32 $0x1, s1  }
0x8c: {  	s17 =	sshll.u32 s0, $0xA;
	s2 =	sadd.s32 s3, s2  }
0x8d: {  	s2 =	sadd.s32 s2, s17  }
0x8e: {  	[smem:$0x3FB6] =	sst s2  }
0x8f: {  	_ = 	snop  }
0x90: {  	s2 =	sld [smem:$0x3FD0];
	(tm) =	ssettm $0x1  }
0x91: {  	s18 =	sld [smem:$0x3FFB];
	_ =	sdelay $0x3  }
0x92: {  	_ =	strace s18  }
0x93: {  	s3 =	sld [smem:$0x3FFC];
	_ =	sdelay $0x3  }
0x94: {  	_ =	strace s3  }
0x95: {  	s3 =	sld [smem:$0x3FFD];
	_ =	sdelay $0x3  }
0x96: {  	_ =	strace s3  }
0x97: {  	_ =	strace $0x8FFFFFFF  }
0x98: {  	s19 =	sld [smem:$0x3FDB];
	_ =	sdelay $0x1  }
0x99: {  	s4 =	simm.s32 $_scs_section_size  }
0x9a: {  	s5 =	simm.s32 $_size__tile_overlayer_lowered;
	s6 =	simm.s32 $_tile_overlayer_lowered  }
0x9b: {  	s22 =	simm.s32 $0x1BFF;
	s21 =	sshll.u32 s6, $0x1;
	s3 =	sadd.s32 s4, s19  }
0x9c: {  	s7 =	simm.s32 $0x0;
	s20 =	sshll.u32 s5, $0x1;
	s5 =	sadd.s32 s21, s3  }
0x9d: {  	[timem:s7], [sflag:s22] =	dma.local [hbm:s5], s20  }
0x9e: {  	_ =	swait.ge [sflag:s22], s20  }
0x9f: {  	s4 =	ssub.s32 $0x0, s20;
	[sflag:s22] =	ssyncset.done $0x0  }
0xa0: {  	[sflag:s22] =	ssyncadd.s32 s4;
	_ =	sdelay $0x1  }
0xa1: {  	s23 =	simm.s32 $0x1B8B  }
0xa2: {  	_ =	swait.ge [sflag:s23], $0x1  }
0xa3: {  	[sflag:s23] =	ssyncset.done $0x0  }
0xa4: {  	s25 =	simm.s32 $0x1B8E;
	s24 =	sld [smem:$0x3FFE];
	[sflag:s23] =	ssyncadd.s32 $0xFFFFFFFF  }
0xa5: {  	s26 =	simm.s32 $execute0_lowered;
	[smem:$0x3FD2] =	sst s25  }
0xa6: {  	s5 =	sshll.u32 s26, $0x1;
	_ =	strace $0x80000046;
	[dreg:$0x1] =	wrdreg $0xFFFFFFFF  }
0xa7: {  	s28 =	simm.s32 $_size_execute0_lowered;
	s3 =	sadd.s32 s3, s5;
	[dreg:$0x0] =	wrdreg $0x0  }
0xa8: {  	s5 =	sshll.u32 s28, $0x1;
	[dreg:$0x2] =	wrdreg s3  }
0xa9: {  	[dreg:$0x3] =	wrdreg s5  }
0xaa: {  	[dreg:$0x4] =	wrdreg $0xC0  }
0xab: {  	_ =	task [dreg:s7], $0x5FFFF  }
0xac: {  	[dreg:$0x1] =	wrdreg $0xFFFFFFFF  }
0xad: {  	[dreg:$0x0] =	wrdreg $0x60  }
0xae: {  	[dreg:$0x2] =	wrdreg s2  }
0xaf: {  	[dreg:$0x3] =	wrdreg s24  }
0xb0: {  	[dreg:$0x4] =	wrdreg $0xCCC00  }
0xb1: {  	[dreg:$0x5] =	wrdreg $0x142200  }
0xb2: {  	[dreg:$0x6] =	wrdreg $0x9  }
0xb3: {  	_ =	task.clear_ibuf [dreg:s7], $0x7FFFF;
	_ =	strace $0x90000046  }
0xb4: {  	s29 =	simm.s32 $0x9;
	_ =	strace $0x80000048  }
0xb5: {  	_ =	swait.ge [sflag:s29], $0x1  }
0xb6: {  	[sflag:s29] =	ssyncadd.s32 $0xFFFFFFFF  }
0xb7: {  	_ =	strace $0x90000048  }
0xb8: {  	_ =	sfence  }
0xb9: {  	s30 =	sld [smem:$0x0];
	_ =	sdelay $0x2  }
0xba: {  	s31 =	sshll.u32 s1, $0xD;
	s1 =	sshrl.u32 s1, $0x2  }
0xbb: {  	s3 =	sand.u32 $0x4000, s31;
	s1 =	sadd.s32 s1, s30  }
0xbc: {  	s0 =	sor.u32 s3, s0;
	s1 =	sshll.u32 s1, $0x11  }
0xbd: {  	s0 =	sor.u32 s1, s0  }
0xbe: {  	s0 =	sadd.s32 $0x8F2B, s0  }
0xbf: {  	[sflag:s0] =	ssyncadd.remote.s32 $0x1  }
0xc0: {  	_ =	sfence.sel $0xFFFF  }
0xc1: {  	[dreg:$0x0] =	wrdreg $0xFFFFFFFF;
	(pc) =	sbr.abs _section_cstart, $3  }
0xc2: {  	[dreg:$0x1] =	wrdreg $0xFFFFFFFF  }
0xc3: {  	_ =	task.clear_ibuf [dreg:s7], $0x2FFFF;
	_ =	strace $0x9FFFFFFF  }
0xc4: {  	(tm) =	ssettm $0x7FFFFFFF  }
0xc5: {  	_ =	shalt  }
tec
execute0_lowered:
.L_overlay_start_1:
0x0: {  	(tag) =	ssettag $0x1  }
0x1: {  	s0 =	rddreg [dreg:$0x0]  }
0x2: {  	s6 =	rddreg [dreg:$0x1]  }
0x3: {  	s1 =	srdreg.scid;
	s2 =	rddreg [dreg:$0x2]  }
0x4: {  	s12 =	stileid.u32;
	s3 =	rddreg [dreg:$0x3]  }
0x5: {  	s15 =	simm.s32 $0x7;
	s17 =	simm.s32 $0x2760;
	s18 =	simm.s32 $0x70  }
0x6: {  	s28 =	simm.s32 $0x2;
	s29 =	simm.s32 $0x4;
	s30 =	simm.s32 $0xB7C0  }
0x7: {  	s31 =	simm.s32 $0x5;
	s1 =	sand.u32 $0x1, s1;
	s7 =	smul.u32 $0xEA60, s12  }
0x8: {  	s25 =	sshll.u32 s12, $0x6;
	s4 =	sshll.u32 s1, $0x4;
	s1 =	ssub.s32 $0x2, s1  }
0x9: {  	s5 =	sor.u32 s12, s4;
	s4 =	simm.s32 $0x0;
	s8 =	sshrl.u32 s7, $0x4  }
0xa: {  	s24 =	sshrl.u32 s1, $0x1;
	s7 =	sshrl.u32 s7, $0x1;
	s5 =	smul.u32 $0x2760, s5  }
0xb: {  	[smem:$0x7FF] =	sst s4;
	s10 =	sadd.s32 s8, s6;
	s1 =	ssub.s32 s1, s24  }
0xc: {  	s14 =	sadd.s32 s7, s2;
	s0 =	sadd.s32 s0, s8;
	s8 =	sor.u32 $0x1C07, s25  }
0xd: {  	s26 =	sadd.s32 s7, s3;
	s24 =	simm.s32 $0x1;
	s25 =	simm.s32 $0x3  }
0xe: {  	_ =	strace $0x80000047;
	[dreg:$0x5] =	wrdreg s0;
	s13 =	smax.u32 s1, $0x1  }
0xf: {  	s14 =	sshrl.u32 s14, $0x3;
	s16 =	sshrl.u32 s26, $0x3;
	s26 =	simm.s32 $0xA2C0  }
0x10: {  	s1 =	simm.s32 $0x6;
	s0 =	simm.s32 $0x0;
	s9 =	sshrl.u32 s5, $0x3  }
0x11: {  	s12 =	sadd.s32 $0x70, s5;
	s11 =	sadd.s32 s9, s6;
	s6 =	sadd.s32 $0x30800, s6  }
0x12: {  	s9 =	sadd.s32 $0x4200, s10;
	s10 =	sadd.s32 $0x26A00, s11;
	s11 =	sadd.s32 $0x12E00, s11  }
.LBB2_1:
0x13: {  	s7 =	rddreg [dreg:$0x5]  }
0x14: {  	[spmem:s14], [sflag:s8] =	dma.local [hbm:s7], $0xEA6  }
0x15: {  	_ =	swait.ge [sflag:s15], $0xEA6  }
0x16: {  	[sflag:s15] =	ssyncset.done $0x0  }
0x17: {  	[sflag:s15] =	ssyncadd.s32 $0xFFFFF15A  }
0x18: {  	[spmem:s16], [sflag:s8] =	dma.local [hbm:s9], $0xEA6  }
0x19: {  	_ =	swait.ge [sflag:s15], $0xEA6  }
0x1a: {  	[sflag:s15] =	ssyncset.done $0x0  }
0x1b: {  	[sflag:s15] =	ssyncadd.s32 $0xFFFFF15A  }
0x1c: {  	[bflag:$0x0] =	sbarrier.arrive $0xFFFF  }
0x1d: {  	[tilespmem:s4], [sflag:$0x7] =	stream.linear.gather [hbm4b:s10+s4], $0x2760, $0x38;
	[tilespmem:$0x1B780] =	vst v63  }
0x1e: {  	_ =	swait.ge [sflag:s15], $0x2760  }
0x1f: {  	[sflag:s15] =	ssyncset.done $0x0  }
0x20: {  	[sflag:s15] =	ssyncadd.s32 $0xFFFFD8A0  }
0x21: {  	[tilespmem:s17], [sflag:$0x7] =	stream.linear.gather [hbm4b:s11+s4], $0x2760, $0x38;
	[tilespmem:$0x1B780] =	vst v63  }
0x22: {  	_ =	swait.ge [sflag:s15], $0x2760  }
0x23: {  	[sflag:s15] =	ssyncset.done $0x0  }
0x24: {  	s20 =	simm.s32 $0x4EC0;
	[sflag:s15] =	ssyncadd.s32 $0xFFFFD8A0  }
0x25: {  	[tilespmem:s20], [sflag:$0x1] =	stream.indirect.gather [spmem:s2], $0x30, s4, s18, $0xb8;
	[tilespmem:$0x1B780] =	vst v63  }
0x26: {  	s21 =	simm.s32 $0x78C0  }
0x27: {  	[tilespmem:s21], [sflag:$0x3] =	stream.indirect.gather [spmem:s3], $0x30, s17, s18, $0xb8;
	[tilespmem:$0x1B780] =	vst v63  }
0x28: {  	s22 =	simm.s32 $0x63C0  }
0x29: {  	[tilespmem:s22], [sflag:$0x2] =	stream.indirect.gather [spmem:s2], $0x30, s18, s18, $0xb8;
	[tilespmem:$0x1B780] =	vst v63  }
0x2a: {  	s23 =	simm.s32 $0x27D0;
	s19 =	simm.s32 $0x8DC0  }
0x2b: {  	[tilespmem:s19], [sflag:$0x4] =	stream.indirect.gather [spmem:s3], $0x30, s23, s18, $0xb8;
	[tilespmem:$0x1B780] =	vst v63  }
0x2c: {  	s19 =	simm.s32 $0x0  }
.LBB2_2:
0x2d: {  	_ =	swait.ge [sflag:s24], $0x1500  }
0x2e: {  	[sflag:s24] =	ssyncset.done $0x0  }
0x2f: {  	[sflag:s24] =	ssyncadd.s32 $0xFFFFEB00  }
0x30: {  	_ =	swait.ge [sflag:s25], $0x1500  }
0x31: {  	p1 =	seq.s32 s19, $0x0;
	[sflag:s25] =	ssyncset.done $0x0  }
0x32: {  	s7 =	simm.s32 @!p1 $0x5;
	[sflag:s25] =	ssyncadd.s32 $0xFFFFEB00  }
0x33: {  	_ =	swait.ge @!p1 [sflag:s7], $0x1500  }
0x34: {  	[sflag:s7] =	ssyncset.done @!p1 $0x0  }
0x35: {  	s23 =	simm.s32 $0x4F80;
	[sflag:s7] =	ssyncadd.s32 @!p1 $0xFFFFEB00  }
0x36: {  	s20 =	simm.s32 $0x7980;
	v0 =	vld [tilespmem:s23+$0x90]  }
0x37: {  	v1 =	vld [tilespmem:s20+$0x90]  }
0x38: {  	v2 =	vld [tilespmem:s20+$0xFFFFFF40]  }
0x39: {  	v3 =	vld [tilespmem:s23+$0xFFFFFF70]  }
0x3a: {  	v4 =	vld [tilespmem:s20+$0xFFFFFF70]  }
0x3b: {  	v5 =	vld [tilespmem:s23+$0xFFFFFFA0]  }
0x3c: {  	v6 =	vld [tilespmem:s20+$0xFFFFFFA0]  }
0x3d: {  	v7 =	vld [tilespmem:s20+$0xFFFFFFD0]  }
0x3e: {  	v9 =	vld [tilespmem:s23+$0x0]  }
0x3f: {  	v10 =	vld [tilespmem:s20+$0x0]  }
0x40: {  	v11 =	vld [tilespmem:s23+$0x30]  }
0x41: {  	v12 =	vld [tilespmem:s20+$0x30]  }
0x42: {  	v13 =	vld [tilespmem:s23+$0x60];
	v0 =	vadd.bf16 v1, v0  }
0x43: {  	s21 =	simm.s32 $0xA380;
	v1 =	vld [tilespmem:s23+$0xFFFFFFD0]  }
0x44: {  	v3 =	vadd.bf16 v4, v3;
	v4 =	vld [tilespmem:s23+$0xFFFFFF40];
	[tilespmem:s21+$0x90] =	vst v0  }
0x45: {  	v0 =	vld [tilespmem:s23+$0xA0]  }
0x46: {  	[tilespmem:s21+$0xFFFFFF70] =	vst v3;
	v3 =	vadd.bf16 v6, v5;
	v8 =	vld [tilespmem:s20+$0xA0]  }
0x47: {  	v6 =	vld [tilespmem:s23+$0xFFFFFF80]  }
0x48: {  	[tilespmem:s21+$0xFFFFFFA0] =	vst v3;
	v3 =	vld [tilespmem:s20+$0xFFFFFF80];
	v1 =	vadd.bf16 v7, v1  }
0x49: {  	v2 =	vadd.bf16 v2, v4;
	v4 =	vld [tilespmem:s23+$0xFFFFFFB0]  }
0x4a: {  	[tilespmem:s21+$0xFFFFFFD0] =	vst v1;
	v1 =	vld [tilespmem:s20+$0xFFFFFFB0]  }
0x4b: {  	v0 =	vadd.bf16 v8, v0;
	v8 =	vld [tilespmem:s20+$0x60]  }
0x4c: {  	v7 =	vadd.bf16 v10, v9;
	[tilespmem:s21+$0xFFFFFF40] =	vst v2;
	v2 =	vld [tilespmem:s23+$0xFFFFFFE0]  }
0x4d: {  	v55 =	vld [tilespmem:s23+$0xFFFFFF50]  }
0x4e: {  	[tilespmem:s21+$0x0] =	vst v7;
	v7 =	vadd.bf16 v12, v11;
	v56 =	vld [tilespmem:s20+$0xFFFFFF50]  }
0x4f: {  	v57 =	vld [tilespmem:s20+$0xFFFFFFE0]  }
0x50: {  	v58 =	vld [tilespmem:s23+$0x10];
	[tilespmem:s21+$0x30] =	vst v7  }
0x51: {  	v59 =	vld [tilespmem:s23+$0x40]  }
0x52: {  	v3 =	vadd.bf16 v3, v6;
	[tilespmem:s21+$0xA0] =	vst v0;
	v60 =	vld [tilespmem:s20+$0x40]  }
0x53: {  	v0 =	vld [tilespmem:s23+$0xB0]  }
0x54: {  	v5 =	vld [tilespmem:s20+$0xB0];
	[tilespmem:s21+$0xFFFFFF80] =	vst v3  }
0x55: {  	v1 =	vadd.bf16 v1, v4;
	v4 =	vld [tilespmem:s23+$0xFFFFFF90]  }
0x56: {  	v7 =	vadd.bf16 v8, v13;
	v8 =	vld [tilespmem:s20+$0x10]  }
0x57: {  	[tilespmem:s21+$0xFFFFFFB0] =	vst v1;
	v1 =	vadd.bf16 v57, v2;
	v2 =	vld [tilespmem:s20+$0xFFFFFF90]  }
0x58: {  	[tilespmem:s21+$0x60] =	vst v7;
	v7 =	vadd.bf16 v56, v55;
	v62 =	vld [tilespmem:s23+$0xFFFFFFC0]  }
0x59: {  	v61 =	vld [tilespmem:s23+$0x70]  }
0x5a: {  	v6 =	vld [tilespmem:s20+$0x70];
	[tilespmem:s21+$0xFFFFFF50] =	vst v7  }
0x5b: {  	v7 =	vld [tilespmem:s23+$0xFFFFFF60]  }
0x5c: {  	v3 =	vld [tilespmem:s20+$0xFFFFFF60]  }
0x5d: {  	[tilespmem:s21+$0xFFFFFFE0] =	vst v1;
	v1 =	vadd.bf16 v8, v58;
	v8 =	vld [tilespmem:s20+$0xFFFFFFC0]  }
0x5e: {  	v0 =	vadd.bf16 v5, v0;
	v5 =	vld [tilespmem:s23+$0xFFFFFFF0]  }
0x5f: {  	v63 =	vld [tilespmem:s20+$0xFFFFFFF0];
	[tilespmem:s21+$0x10] =	vst v1;
	v1 =	vadd.bf16 v60, v59  }
0x60: {  	[tilespmem:s21+$0xB0] =	vst v0;
	v6 =	vadd.bf16 v6, v61;
	v0 =	vld [tilespmem:s23+$0x20]  }
0x61: {  	v2 =	vadd.bf16 v2, v4;
	[tilespmem:s21+$0x40] =	vst v1;
	v7 =	vadd.bf16 v3, v7;
	v3 =	vld [tilespmem:s20+$0x20]  }
0x62: {  	[tilespmem:s21+$0x70] =	vst v6;
	v1 =	vld [tilespmem:s23+$0x50];
	v6 =	vadd.bf16 v8, v62  }
0x63: {  	[tilespmem:s21+$0xFFFFFF90] =	vst v2;
	v4 =	vld [tilespmem:s20+$0x50]  }
0x64: {  	v2 =	vld [tilespmem:s23+$0x80];
	[tilespmem:s21+$0xFFFFFFC0] =	vst v6;
	v6 =	vadd.bf16 v63, v5  }
0x65: {  	s22 =	simm.s32 $0x0;
	s23 =	simm.s32 $0x5100;
	[tilespmem:s21+$0xFFFFFF60] =	vst v7;
	v5 =	vld [tilespmem:s20+$0x80]  }
.LBB2_3:
0x66: {  	v7 =	vld [tilespmem:s23+$0x90];
	[tilespmem:s21+$0xFFFFFFF0] =	vst v6;
	v0 =	vadd.bf16 v3, v0;
	s20 =	sadd.s32 $0x180, s20  }
0x67: {  	v3 =	vld [tilespmem:s20+$0x90]  }
0x68: {  	v6 =	vld [tilespmem:s20+$0xFFFFFF40];
	[tilespmem:s21+$0x20] =	vst v0;
	v0 =	vadd.bf16 v4, v1  }
0x69: {  	s22 =	sadd.s32 $0x8, s22;
	v1 =	vld [tilespmem:s23+$0xFFFFFF70]  }
0x6a: {  	p0 =	slt.u32 s22, $0x68;
	v4 =	vld [tilespmem:s20+$0xFFFFFF70];
	[tilespmem:s21+$0x50] =	vst v0;
	v0 =	vadd.bf16 v5, v2  }
0x6b: {  	v2 =	vld [tilespmem:s23+$0xFFFFFFA0]  }
0x6c: {  	v5 =	vld [tilespmem:s20+$0xFFFFFFA0];
	v3 =	vadd.bf16 v3, v7;
	[tilespmem:s21+$0x80] =	vst v0  }
0x6d: {  	s21 =	sadd.s32 $0x180, s21;
	v0 =	vld [tilespmem:s23+$0xFFFFFFD0]  }
0x6e: {  	v7 =	vld [tilespmem:s20+$0xFFFFFFD0];
	[tilespmem:s21+$0x90] =	vst v3  }
0x6f: {  	v1 =	vadd.bf16 v4, v1;
	v3 =	vld [tilespmem:s23+$0xA0]  }
0x70: {  	v4 =	vld [tilespmem:s20+$0xA0]  }
0x71: {  	[tilespmem:s21+$0xFFFFFF70] =	vst v1;
	v1 =	vadd.bf16 v5, v2;
	v2 =	vld [tilespmem:s23+$0x0]  }
0x72: {  	v5 =	vld [tilespmem:s20+$0x0]  }
0x73: {  	[tilespmem:s21+$0xFFFFFFA0] =	vst v1;
	v0 =	vadd.bf16 v7, v0;
	v1 =	vld [tilespmem:s23+$0x30]  }
0x74: {  	v7 =	vld [tilespmem:s20+$0x30]  }
0x75: {  	[tilespmem:s21+$0xFFFFFFD0] =	vst v0;
	v0 =	vld [tilespmem:s23+$0x60];
	v3 =	vadd.bf16 v4, v3  }
0x76: {  	v4 =	vld [tilespmem:s20+$0x60]  }
0x77: {  	v8 =	vld [tilespmem:s23+$0xFFFFFF40];
	v2 =	vadd.bf16 v5, v2;
	[tilespmem:s21+$0xA0] =	vst v3  }
0x78: {  	v3 =	vld [tilespmem:s23+$0xB0]  }
0x79: {  	[tilespmem:s21+$0x0] =	vst v2;
	v1 =	vadd.bf16 v7, v1;
	v2 =	vld [tilespmem:s20+$0xB0]  }
0x7a: {  	v5 =	vld [tilespmem:s23+$0xFFFFFF80]  }
0x7b: {  	v7 =	vld [tilespmem:s20+$0xFFFFFF80];
	[tilespmem:s21+$0x30] =	vst v1;
	v0 =	vadd.bf16 v4, v0  }
0x7c: {  	v1 =	vadd.bf16 v6, v8;
	v4 =	vld [tilespmem:s23+$0xFFFFFFB0]  }
0x7d: {  	v6 =	vld [tilespmem:s20+$0xFFFFFFB0];
	[tilespmem:s21+$0x60] =	vst v0  }
0x7e: {  	[tilespmem:s21+$0xFFFFFF40] =	vst v1;
	v0 =	vld [tilespmem:s23+$0xFFFFFFE0];
	v1 =	vadd.bf16 v2, v3  }
0x7f: {  	v2 =	vld [tilespmem:s23+$0xFFFFFF50]  }
0x80: {  	v3 =	vld [tilespmem:s20+$0xFFFFFF50];
	v5 =	vadd.bf16 v7, v5;
	[tilespmem:s21+$0xB0] =	vst v1  }
0x81: {  	v1 =	vld [tilespmem:s20+$0xFFFFFFE0]  }
0x82: {  	[tilespmem:s21+$0xFFFFFF80] =	vst v5;
	v4 =	vadd.bf16 v6, v4;
	v5 =	vld [tilespmem:s23+$0x10]  }
0x83: {  	v6 =	vld [tilespmem:s20+$0x10]  }
0x84: {  	[tilespmem:s21+$0xFFFFFFB0] =	vst v4;
	v4 =	vld [tilespmem:s23+$0x40]  }
0x85: {  	v2 =	vadd.bf16 v3, v2;
	v3 =	vld [tilespmem:s20+$0x40]  }
0x86: {  	v0 =	vadd.bf16 v1, v0;
	v1 =	vld [tilespmem:s23+$0x70]  }
0x87: {  	[tilespmem:s21+$0xFFFFFF50] =	vst v2;
	v2 =	vld [tilespmem:s20+$0x70]  }
0x88: {  	v7 =	vld [tilespmem:s23+$0xFFFFFF60];
	[tilespmem:s21+$0xFFFFFFE0] =	vst v0;
	v0 =	vadd.bf16 v6, v5  }
0x89: {  	v5 =	vld [tilespmem:s20+$0xFFFFFF60]  }
0x8a: {  	v6 =	vld [tilespmem:s23+$0xFFFFFF90];
	[tilespmem:s21+$0x10] =	vst v0;
	v0 =	vadd.bf16 v3, v4  }
0x8b: {  	v3 =	vld [tilespmem:s20+$0xFFFFFF90]  }
0x8c: {  	v4 =	vld [tilespmem:s23+$0xFFFFFFC0];
	[tilespmem:s21+$0x40] =	vst v0;
	v0 =	vadd.bf16 v2, v1  }
0x8d: {  	v1 =	vld [tilespmem:s20+$0xFFFFFFC0]  }
0x8e: {  	v2 =	vadd.bf16 v5, v7;
	v5 =	vld [tilespmem:s23+$0xFFFFFFF0];
	[tilespmem:s21+$0x70] =	vst v0  }
0x8f: {  	v7 =	vld [tilespmem:s20+$0xFFFFFFF0]  }
0x90: {  	[tilespmem:s21+$0xFFFFFF60] =	vst v2;
	v2 =	vadd.bf16 v3, v6;
	v0 =	vld [tilespmem:s23+$0x20]  }
.Ltmp0:
0x91: {  	v3 =	vld [tilespmem:s20+$0x20];
	(pc) =	sbr.rel @p0 .LBB2_3-.Ltmp0, $4  }
0x92: {  	[tilespmem:s21+$0xFFFFFF90] =	vst v2;
	v2 =	vadd.bf16 v1, v4;
	v1 =	vld [tilespmem:s23+$0x50]  }
0x93: {  	v4 =	vld [tilespmem:s20+$0x50]  }
0x94: {  	[tilespmem:s21+$0xFFFFFFC0] =	vst v2;
	v6 =	vadd.bf16 v7, v5;
	v2 =	vld [tilespmem:s23+$0x80]  }
0x95: {  	s23 =	sadd.s32 $0x180, s23;
	v5 =	vld [tilespmem:s20+$0x80]  }
0x96: {  	_ =	sdelay $0x1  }
0x97: {  	v0 =	vadd.bf16 v3, v0  }
0x98: {  	[tilespmem:s21+$0xFFFFFFF0] =	vst v6;
	p0 =	seq.s32 s19, $0x2C;
	v1 =	vadd.bf16 v4, v1  }
0x99: {  	s20 =	smul.u32 @!p0 $0xE0, s19;
	[tilespmem:s21+$0x20] =	vst v0;
	v0 =	vadd.bf16 v5, v2  }
0x9a: {  	[tilespmem:s21+$0x50] =	vst v1  }
0x9b: {  	s22 =	simm.s32 @!p0 $0x4EC0;
	s7 =	sadd.s32 @!p0 $0xE0, s20;
	[tilespmem:s21+$0x80] =	vst v0;
	s21 =	simm.s32 @!p0 $0x70  }
0x9c: {  	[tilespmem:s22], [sflag:$0x1] =	stream.indirect.gather @!p0 [spmem:s2], $0x30, s7, s21, $0xb8;
	[tilespmem:$0x1B780] =	vst v63  }
0x9d: {  	s7 =	sadd.s32 @!p0 $0x2840, s20;
	s20 =	simm.s32 @p0 $0x2680  }
0x9e: {  	s22 =	sadd.s32 s5, s20  }
0x9f: {  	s23 =	simm.s32 @!p0 $0x78C0;
	s22 =	smul.u32 $0x6, s22  }
0xa0: {  	[tilespmem:s23], [sflag:$0x3] =	stream.indirect.gather @!p0 [spmem:s3], $0x30, s7, s21, $0xb8;
	[tilespmem:$0x1B780] =	vst v63  }
0xa1: {  	s22 =	sadd.s32 s6, s22  }
0xa2: {  	[hbm4b:s22+s4] =	stream.linear.scatter [tilespmem:s26], [sflag:$0x5], $0x1500, $0x38;
	[tilespmem:$0x1B780] =	vst v63  }
0xa3: {  	_ =	swait.ge [sflag:s28], $0x1500  }
0xa4: {  	[sflag:s28] =	ssyncset.done $0x0  }
0xa5: {  	[sflag:s28] =	ssyncadd.s32 $0xFFFFEB00  }
0xa6: {  	_ =	swait.ge [sflag:s29], $0x1500  }
0xa7: {  	[sflag:s29] =	ssyncset.done $0x0  }
0xa8: {  	s7 =	simm.s32 @!p1 $0x6;
	[sflag:s29] =	ssyncadd.s32 $0xFFFFEB00  }
0xa9: {  	_ =	swait.ge @!p1 [sflag:s7], $0x1500  }
0xaa: {  	[sflag:s7] =	ssyncset.done @!p1 $0x0  }
0xab: {  	s23 =	simm.s32 $0x6480;
	[sflag:s7] =	ssyncadd.s32 @!p1 $0xFFFFEB00  }
0xac: {  	s21 =	simm.s32 $0x8E80;
	v0 =	vld [tilespmem:s23+$0x90]  }
0xad: {  	v1 =	vld [tilespmem:s21+$0x90]  }
0xae: {  	v2 =	vld [tilespmem:s21+$0xFFFFFF40]  }
0xaf: {  	v3 =	vld [tilespmem:s23+$0xFFFFFF70]  }
0xb0: {  	v4 =	vld [tilespmem:s21+$0xFFFFFF70]  }
0xb1: {  	v5 =	vld [tilespmem:s23+$0xFFFFFFA0]  }
0xb2: {  	v6 =	vld [tilespmem:s21+$0xFFFFFFA0]  }
0xb3: {  	v7 =	vld [tilespmem:s21+$0xFFFFFFD0]  }
0xb4: {  	v9 =	vld [tilespmem:s23+$0x0]  }
0xb5: {  	v10 =	vld [tilespmem:s21+$0x0]  }
0xb6: {  	v11 =	vld [tilespmem:s23+$0x30]  }
0xb7: {  	v12 =	vld [tilespmem:s21+$0x30]  }
0xb8: {  	v13 =	vld [tilespmem:s23+$0x60];
	v0 =	vadd.bf16 v1, v0  }
0xb9: {  	s22 =	simm.s32 $0xB880;
	v1 =	vld [tilespmem:s23+$0xFFFFFFD0]  }
0xba: {  	v3 =	vadd.bf16 v4, v3;
	v4 =	vld [tilespmem:s23+$0xFFFFFF40];
	[tilespmem:s22+$0x90] =	vst v0  }
0xbb: {  	v0 =	vld [tilespmem:s23+$0xA0]  }
0xbc: {  	[tilespmem:s22+$0xFFFFFF70] =	vst v3;
	v3 =	vadd.bf16 v6, v5;
	v8 =	vld [tilespmem:s21+$0xA0]  }
0xbd: {  	v6 =	vld [tilespmem:s23+$0xFFFFFF80]  }
0xbe: {  	[tilespmem:s22+$0xFFFFFFA0] =	vst v3;
	v3 =	vld [tilespmem:s21+$0xFFFFFF80];
	v1 =	vadd.bf16 v7, v1  }
0xbf: {  	v2 =	vadd.bf16 v2, v4;
	v4 =	vld [tilespmem:s23+$0xFFFFFFB0]  }
0xc0: {  	[tilespmem:s22+$0xFFFFFFD0] =	vst v1;
	v1 =	vld [tilespmem:s21+$0xFFFFFFB0]  }
0xc1: {  	v0 =	vadd.bf16 v8, v0;
	v8 =	vld [tilespmem:s21+$0x60]  }
0xc2: {  	v7 =	vadd.bf16 v10, v9;
	[tilespmem:s22+$0xFFFFFF40] =	vst v2;
	v2 =	vld [tilespmem:s23+$0xFFFFFFE0]  }
0xc3: {  	v55 =	vld [tilespmem:s23+$0xFFFFFF50]  }
0xc4: {  	[tilespmem:s22+$0x0] =	vst v7;
	v7 =	vadd.bf16 v12, v11;
	v56 =	vld [tilespmem:s21+$0xFFFFFF50]  }
0xc5: {  	v57 =	vld [tilespmem:s21+$0xFFFFFFE0]  }
0xc6: {  	v58 =	vld [tilespmem:s23+$0x10];
	[tilespmem:s22+$0x30] =	vst v7  }
0xc7: {  	v59 =	vld [tilespmem:s23+$0x40]  }
0xc8: {  	v3 =	vadd.bf16 v3, v6;
	[tilespmem:s22+$0xA0] =	vst v0;
	v60 =	vld [tilespmem:s21+$0x40]  }
0xc9: {  	v0 =	vld [tilespmem:s23+$0xB0]  }
0xca: {  	v5 =	vld [tilespmem:s21+$0xB0];
	[tilespmem:s22+$0xFFFFFF80] =	vst v3  }
0xcb: {  	v1 =	vadd.bf16 v1, v4;
	v4 =	vld [tilespmem:s23+$0xFFFFFF90]  }
0xcc: {  	v7 =	vadd.bf16 v8, v13;
	v8 =	vld [tilespmem:s21+$0x10]  }
0xcd: {  	[tilespmem:s22+$0xFFFFFFB0] =	vst v1;
	v1 =	vadd.bf16 v57, v2;
	v2 =	vld [tilespmem:s21+$0xFFFFFF90]  }
0xce: {  	[tilespmem:s22+$0x60] =	vst v7;
	v7 =	vadd.bf16 v56, v55;
	v62 =	vld [tilespmem:s23+$0xFFFFFFC0]  }
0xcf: {  	v61 =	vld [tilespmem:s23+$0x70]  }
0xd0: {  	v6 =	vld [tilespmem:s21+$0x70];
	[tilespmem:s22+$0xFFFFFF50] =	vst v7  }
0xd1: {  	v7 =	vld [tilespmem:s23+$0xFFFFFF60]  }
0xd2: {  	v3 =	vld [tilespmem:s21+$0xFFFFFF60]  }
0xd3: {  	[tilespmem:s22+$0xFFFFFFE0] =	vst v1;
	v1 =	vadd.bf16 v8, v58;
	v8 =	vld [tilespmem:s21+$0xFFFFFFC0]  }
0xd4: {  	v0 =	vadd.bf16 v5, v0;
	v5 =	vld [tilespmem:s23+$0xFFFFFFF0]  }
0xd5: {  	v63 =	vld [tilespmem:s21+$0xFFFFFFF0];
	[tilespmem:s22+$0x10] =	vst v1;
	v1 =	vadd.bf16 v60, v59  }
0xd6: {  	[tilespmem:s22+$0xB0] =	vst v0;
	v6 =	vadd.bf16 v6, v61;
	v0 =	vld [tilespmem:s23+$0x20]  }
0xd7: {  	v2 =	vadd.bf16 v2, v4;
	[tilespmem:s22+$0x40] =	vst v1;
	v7 =	vadd.bf16 v3, v7;
	v3 =	vld [tilespmem:s21+$0x20]  }
0xd8: {  	[tilespmem:s22+$0x70] =	vst v6;
	v1 =	vld [tilespmem:s23+$0x50];
	v6 =	vadd.bf16 v8, v62  }
0xd9: {  	[tilespmem:s22+$0xFFFFFF90] =	vst v2;
	v4 =	vld [tilespmem:s21+$0x50]  }
0xda: {  	v2 =	vld [tilespmem:s23+$0x80];
	[tilespmem:s22+$0xFFFFFFC0] =	vst v6;
	v6 =	vadd.bf16 v63, v5  }
0xdb: {  	s7 =	simm.s32 $0x6600;
	s23 =	simm.s32 $0x0;
	[tilespmem:s22+$0xFFFFFF60] =	vst v7;
	v5 =	vld [tilespmem:s21+$0x80]  }
.LBB2_5:
0xdc: {  	v7 =	vld [tilespmem:s7+$0x90];
	[tilespmem:s22+$0xFFFFFFF0] =	vst v6;
	v0 =	vadd.bf16 v3, v0;
	s21 =	sadd.s32 $0x180, s21  }
0xdd: {  	v3 =	vld [tilespmem:s21+$0x90]  }
0xde: {  	v6 =	vld [tilespmem:s21+$0xFFFFFF40];
	[tilespmem:s22+$0x20] =	vst v0;
	v0 =	vadd.bf16 v4, v1  }
0xdf: {  	s23 =	sadd.s32 $0x8, s23;
	v1 =	vld [tilespmem:s7+$0xFFFFFF70]  }
0xe0: {  	p1 =	slt.u32 s23, $0x68;
	v4 =	vld [tilespmem:s21+$0xFFFFFF70];
	[tilespmem:s22+$0x50] =	vst v0;
	v0 =	vadd.bf16 v5, v2  }
0xe1: {  	v2 =	vld [tilespmem:s7+$0xFFFFFFA0]  }
0xe2: {  	v5 =	vld [tilespmem:s21+$0xFFFFFFA0];
	v3 =	vadd.bf16 v3, v7;
	[tilespmem:s22+$0x80] =	vst v0  }
0xe3: {  	s22 =	sadd.s32 $0x180, s22;
	v0 =	vld [tilespmem:s7+$0xFFFFFFD0]  }
0xe4: {  	v7 =	vld [tilespmem:s21+$0xFFFFFFD0];
	[tilespmem:s22+$0x90] =	vst v3  }
0xe5: {  	v1 =	vadd.bf16 v4, v1;
	v3 =	vld [tilespmem:s7+$0xA0]  }
0xe6: {  	v4 =	vld [tilespmem:s21+$0xA0]  }
0xe7: {  	[tilespmem:s22+$0xFFFFFF70] =	vst v1;
	v1 =	vadd.bf16 v5, v2;
	v2 =	vld [tilespmem:s7+$0x0]  }
0xe8: {  	v5 =	vld [tilespmem:s21+$0x0]  }
0xe9: {  	[tilespmem:s22+$0xFFFFFFA0] =	vst v1;
	v0 =	vadd.bf16 v7, v0;
	v1 =	vld [tilespmem:s7+$0x30]  }
0xea: {  	v7 =	vld [tilespmem:s21+$0x30]  }
0xeb: {  	[tilespmem:s22+$0xFFFFFFD0] =	vst v0;
	v0 =	vld [tilespmem:s7+$0x60];
	v3 =	vadd.bf16 v4, v3  }
0xec: {  	v4 =	vld [tilespmem:s21+$0x60]  }
0xed: {  	v8 =	vld [tilespmem:s7+$0xFFFFFF40];
	v2 =	vadd.bf16 v5, v2;
	[tilespmem:s22+$0xA0] =	vst v3  }
0xee: {  	v3 =	vld [tilespmem:s7+$0xB0]  }
0xef: {  	[tilespmem:s22+$0x0] =	vst v2;
	v1 =	vadd.bf16 v7, v1;
	v2 =	vld [tilespmem:s21+$0xB0]  }
0xf0: {  	v5 =	vld [tilespmem:s7+$0xFFFFFF80]  }
0xf1: {  	v7 =	vld [tilespmem:s21+$0xFFFFFF80];
	[tilespmem:s22+$0x30] =	vst v1;
	v0 =	vadd.bf16 v4, v0  }
0xf2: {  	v1 =	vadd.bf16 v6, v8;
	v4 =	vld [tilespmem:s7+$0xFFFFFFB0]  }
0xf3: {  	v6 =	vld [tilespmem:s21+$0xFFFFFFB0];
	[tilespmem:s22+$0x60] =	vst v0  }
0xf4: {  	[tilespmem:s22+$0xFFFFFF40] =	vst v1;
	v0 =	vld [tilespmem:s7+$0xFFFFFFE0];
	v1 =	vadd.bf16 v2, v3  }
0xf5: {  	v2 =	vld [tilespmem:s7+$0xFFFFFF50]  }
0xf6: {  	v3 =	vld [tilespmem:s21+$0xFFFFFF50];
	v5 =	vadd.bf16 v7, v5;
	[tilespmem:s22+$0xB0] =	vst v1  }
0xf7: {  	v1 =	vld [tilespmem:s21+$0xFFFFFFE0]  }
0xf8: {  	[tilespmem:s22+$0xFFFFFF80] =	vst v5;
	v4 =	vadd.bf16 v6, v4;
	v5 =	vld [tilespmem:s7+$0x10]  }
0xf9: {  	v6 =	vld [tilespmem:s21+$0x10]  }
0xfa: {  	[tilespmem:s22+$0xFFFFFFB0] =	vst v4;
	v4 =	vld [tilespmem:s7+$0x40]  }
0xfb: {  	v2 =	vadd.bf16 v3, v2;
	v3 =	vld [tilespmem:s21+$0x40]  }
0xfc: {  	v0 =	vadd.bf16 v1, v0;
	v1 =	vld [tilespmem:s7+$0x70]  }
0xfd: {  	[tilespmem:s22+$0xFFFFFF50] =	vst v2;
	v2 =	vld [tilespmem:s21+$0x70]  }
0xfe: {  	v7 =	vld [tilespmem:s7+$0xFFFFFF60];
	[tilespmem:s22+$0xFFFFFFE0] =	vst v0;
	v0 =	vadd.bf16 v6, v5  }
0xff: {  	v5 =	vld [tilespmem:s21+$0xFFFFFF60]  }
0x100: {  	v6 =	vld [tilespmem:s7+$0xFFFFFF90];
	[tilespmem:s22+$0x10] =	vst v0;
	v0 =	vadd.bf16 v3, v4  }
0x101: {  	v3 =	vld [tilespmem:s21+$0xFFFFFF90]  }
0x102: {  	v4 =	vld [tilespmem:s7+$0xFFFFFFC0];
	[tilespmem:s22+$0x40] =	vst v0;
	v0 =	vadd.bf16 v2, v1  }
0x103: {  	v1 =	vld [tilespmem:s21+$0xFFFFFFC0]  }
0x104: {  	v2 =	vadd.bf16 v5, v7;
	v5 =	vld [tilespmem:s7+$0xFFFFFFF0];
	[tilespmem:s22+$0x70] =	vst v0  }
0x105: {  	v7 =	vld [tilespmem:s21+$0xFFFFFFF0]  }
0x106: {  	[tilespmem:s22+$0xFFFFFF60] =	vst v2;
	v2 =	vadd.bf16 v3, v6;
	v0 =	vld [tilespmem:s7+$0x20]  }
.Ltmp1:
0x107: {  	v3 =	vld [tilespmem:s21+$0x20];
	(pc) =	sbr.rel @p1 .LBB2_5-.Ltmp1, $4  }
0x108: {  	[tilespmem:s22+$0xFFFFFF90] =	vst v2;
	v2 =	vadd.bf16 v1, v4;
	v1 =	vld [tilespmem:s7+$0x50]  }
0x109: {  	v4 =	vld [tilespmem:s21+$0x50]  }
0x10a: {  	[tilespmem:s22+$0xFFFFFFC0] =	vst v2;
	v6 =	vadd.bf16 v7, v5;
	v2 =	vld [tilespmem:s7+$0x80]  }
0x10b: {  	s7 =	sadd.s32 $0x180, s7;
	v5 =	vld [tilespmem:s21+$0x80]  }
0x10c: {  	_ =	sdelay $0x1  }
0x10d: {  	v0 =	vadd.bf16 v3, v0  }
0x10e: {  	[tilespmem:s22+$0xFFFFFFF0] =	vst v6;
	v1 =	vadd.bf16 v4, v1  }
0x10f: {  	[tilespmem:s22+$0x20] =	vst v0;
	v63 =	vadd.bf16 v5, v2  }
0x110: {  	s7 =	sadd.s32 @!p0 $0x150, s20;
	[tilespmem:s22+$0x50] =	vst v1  }
0x111: {  	s21 =	simm.s32 @!p0 $0x70;
	s23 =	sadd.s32 s20, s12;
	[tilespmem:s22+$0x80] =	vst v63;
	s22 =	simm.s32 @!p0 $0x63C0  }
0x112: {  	[tilespmem:s22], [sflag:$0x2] =	stream.indirect.gather @!p0 [spmem:s2], $0x30, s7, s21, $0xb8;
	[tilespmem:$0x1B780] =	vst v63  }
0x113: {  	s20 =	sadd.s32 @!p0 $0x28B0, s20;
	s19 =	sadd.s32 $0x1, s19;
	s22 =	simm.s32 @!p0 $0x8DC0  }
0x114: {  	[tilespmem:s22], [sflag:$0x4] =	stream.indirect.gather @!p0 [spmem:s3], $0x30, s20, s21, $0xb8;
	[tilespmem:$0x1B780] =	vst v63  }
0x115: {  	p0 =	sne.s32 s19, $0x2D  }
.Ltmp2:
0x116: {  	_ = 	snop;
	(pc) =	sbr.rel @p0 .LBB2_2-.Ltmp2, $3  }
0x117: {  	s7 =	smul.u32 $0x6, s23;
	_ =	sdelay $0x1  }
0x118: {  	s7 =	sadd.s32 s6, s7  }
0x119: {  	[hbm4b:s7+s4] =	stream.linear.scatter [tilespmem:s30], [sflag:$0x6], $0x1500, $0x38;
	[tilespmem:$0x1B780] =	vst v63  }
0x11a: {  	s0 =	sadd.s32 $0x1, s0  }
0x11b: {  	_ =	swait.ge [sflag:s31], $0x1500;
	p0 =	sne.s32 s0, s13  }
.Ltmp3:
0x11c: {  	[sflag:s31] =	ssyncset.done $0x0;
	(pc) =	sbr.rel @p0 .LBB2_1-.Ltmp3, $4  }
0x11d: {  	[sflag:s31] =	ssyncadd.s32 $0xFFFFEB00  }
0x11e: {  	_ =	swait.ge [sflag:s1], $0x1500  }
0x11f: {  	[sflag:s1] =	ssyncset.done $0x0  }
0x120: {  	[sflag:s1] =	ssyncadd.s32 $0xFFFFEB00  }
0x121: {  	_ =	sfence.sel $0x180000  }
0x122: {  	[bflag:$0x0] =	sbarrier.arrive $0xFFFF  }
0x123: {  	_ =	strace $0x90000047  }
0x124: {  	s0 =	stileid.u32;
	[bflag:$0x2] =	sbarrier.arrive $0xFFFF  }
0x125: {  	p0 =	sne.s32 s0, $0x0;
	s0 =	rddreg [dreg:$0x4]  }
0x126: {  	s0 =	sadd.s32 @!p0 $0x100000, s0  }
0x127: {  	[sflag:s0] =	ssyncadd.tile.s32 @!p0 $0x1;
	_ =	shalt  }
.Lfunc_end2:
_tile_overlayer_lowered:
.L_overlay_start_2:
0x128: {  	(tag) =	ssettag $0x2  }
0x129: {  	s0 =	rddreg [dreg:$0x0];
	s2 =	stileid.u32  }
0x12a: {  	s1 =	rddreg [dreg:$0x1];
	p0 =	sne.s32 s2, $0x0  }
0x12b: {  	s3 =	rddreg [dreg:$0x2];
	[bflag:$0x3] =	sbarrier.arrive $0xFFFF;
	s2 =	simm.s32 @!p0 $0x1C07  }
0x12c: {  	[timem:s3], [sflag:s2] =	dma.local @!p0 [hbm:s0], s1  }
0x12d: {  	s0 =	simm.s32 @!p0 $0x7  }
0x12e: {  	_ =	swait.ge @!p0 [sflag:s0], s1  }
0x12f: {  	s1 =	ssub.s32 @!p0 $0x0, s1;
	[sflag:s0] =	ssyncset.done @!p0 $0x0  }
0x130: {  	[sflag:s0] =	ssyncadd.s32 @!p0 s1  }
0x131: {  	[bflag:$0x3] =	sbarrier.arrive $0xFFFF  }
0x132: {  	_ =	shalt  }

</sc_bundles>
